<compile_context>
chip_gen: v7x
topology: tpu7x:2x2x1
jax: 0.10.2.dev20260603
libtpu: 0.0.44.dev20260713+nightly
codegen_flags: <defaults>
</compile_context>

<pallas_src>
import functools

import jax
import jax.numpy as jnp
from jax import lax
from jax.experimental import pallas as pl
from jax.experimental.pallas import tpu as pltpu
from jax.experimental.pallas import tpu_sc as plsc

NC = 2
NS = 16
NW = NC * NS
C = 128


def _sc_segment_sums(x_p, sd, zrows, *, n_pad, h, k):
    rpt = n_pad // NS
    mesh = plsc.VectorSubcoreMesh(core_axis_name="c", subcore_axis_name="s")
    assert k % 4 == 0 and k >= 8

    out_type = jax.ShapeDtypeStruct((NC * n_pad, h), jnp.float32)
    scratch = [
        pltpu.VMEM((3, 2, C), jnp.int32),
        pltpu.SemaphoreType.DMA((3,)),
        pltpu.VMEM((3, C, h), jnp.float32),
        pltpu.SemaphoreType.DMA((3,)),
        pltpu.SemaphoreType.DMA((3,)),
        pltpu.VMEM_SHARED((n_pad, h), jnp.float32),
    ]

    def body(x_hbm, sd_hbm, zr_hbm, sums_hbm, idxb, isem, bufs, gsem, ssem,
             acc):
        cid = lax.axis_index("c")
        sid = lax.axis_index("s")
        tb = (cid * NS + sid) * k
        pltpu.sync_copy(zr_hbm, acc.at[pl.ds(sid * rpt, rpt)])
        plsc.subcore_barrier()

        for b in range(2):
            pltpu.async_copy(sd_hbm.at[tb + b], idxb.at[b], isem.at[b])
        for b in range(2):
            pltpu.make_async_copy(sd_hbm.at[tb + b], idxb.at[b],
                                  isem.at[b]).wait()
            pltpu.async_copy(x_hbm.at[idxb.at[b, 0]], bufs.at[b], gsem.at[b])

        @pl.loop(0, k)
        def _(j):
            b = lax.rem(j, 3)
            b2 = lax.rem(j + 2, 3)

            @pl.when(j >= 1)
            def _():
                pltpu.make_async_copy(bufs.at[b2], acc.at[idxb.at[b2, 1]],
                                      ssem.at[b2]).wait()

            @pl.when(j + 2 < k)
            def _():
                pltpu.async_copy(sd_hbm.at[tb + j + 2], idxb.at[b2],
                                 isem.at[b2])

            pltpu.make_async_copy(x_hbm.at[idxb.at[b, 0]], bufs.at[b],
                                  gsem.at[b]).wait()
            pltpu.async_copy(bufs.at[b], acc.at[idxb.at[b, 1]], ssem.at[b],
                             add=True)

            @pl.when(j + 2 < k)
            def _():
                pltpu.make_async_copy(sd_hbm.at[tb + j + 2], idxb.at[b2],
                                      isem.at[b2]).wait()
                pltpu.async_copy(x_hbm.at[idxb.at[b2, 0]], bufs.at[b2],
                                 gsem.at[b2])

        bl_ = (k - 1) % 3
        pltpu.make_async_copy(bufs.at[bl_], acc.at[idxb.at[bl_, 1]],
                              ssem.at[bl_]).wait()
        plsc.subcore_barrier()
        base = cid * n_pad + sid * rpt
        pltpu.sync_copy(acc.at[pl.ds(sid * rpt, rpt)],
                        sums_hbm.at[pl.ds(base, rpt)])

    run = pl.kernel(body, out_type=out_type, mesh=mesh, scratch_types=scratch)
    return run(x_p, sd, zrows)


def _sc_counts(sd, zrow1, ones_c, *, n_pad, k):
    rpt = n_pad // NS
    mesh = plsc.VectorSubcoreMesh(core_axis_name="c", subcore_axis_name="s")

    out_type = jax.ShapeDtypeStruct((NC * n_pad,), jnp.float32)
    scratch = [
        pltpu.VMEM((8, 2, C), jnp.int32),
        pltpu.SemaphoreType.DMA((8,)),
        pltpu.SemaphoreType.DMA((4,)),
        pltpu.VMEM((C,), jnp.float32),
        pltpu.VMEM_SHARED((n_pad,), jnp.float32),
    ]

    def body(sd_hbm, z1_hbm, on_hbm, cnt_hbm, idxb, isem, csem, onesv, cacc):
        cid = lax.axis_index("c")
        sid = lax.axis_index("s")
        tb = (cid * NS + sid) * k
        pltpu.sync_copy(z1_hbm, cacc.at[pl.ds(sid * rpt, rpt)])
        pltpu.sync_copy(on_hbm, onesv)
        plsc.subcore_barrier()

        for b in range(4):
            pltpu.async_copy(sd_hbm.at[tb + b], idxb.at[b], isem.at[b])

        @pl.loop(0, k)
        def _(j):
            b4 = lax.rem(j, 4)
            s8 = lax.rem(j, 8)

            @pl.when(j >= 4)
            def _():
                pltpu.make_async_copy(onesv, cacc.at[idxb.at[s8, 1]],
                                      csem.at[b4]).wait()

            @pl.when(j + 4 < k)
            def _():
                s8n = lax.rem(j + 4, 8)
                pltpu.async_copy(sd_hbm.at[tb + j + 4], idxb.at[s8n],
                                 isem.at[s8n])

            pltpu.make_async_copy(sd_hbm.at[tb + j], idxb.at[s8],
                                  isem.at[s8]).wait()
            pltpu.async_copy(onesv, cacc.at[idxb.at[s8, 1]], csem.at[b4],
                             add=True)

        for b in range(4):
            pltpu.make_async_copy(onesv, cacc.at[idxb.at[b, 1]],
                                  csem.at[b]).wait()
        plsc.subcore_barrier()
        base = cid * n_pad + sid * rpt
        pltpu.sync_copy(cacc.at[pl.ds(sid * rpt, rpt)],
                        cnt_hbm.at[pl.ds(base, rpt)])

    run = pl.kernel(body, out_type=out_type, mesh=mesh, scratch_types=scratch)
    return run(sd, zrow1, ones_c)


def _prep_rcp(cnt3, *, n_pad):

    def body(c_ref, o_ref):
        i = pl.program_id(0)
        c = c_ref[0, i] + c_ref[1, i]
        r = (1.0 / jnp.maximum(c, 1.0)).reshape(1, 128)
        eye = (lax.broadcasted_iota(jnp.int32, (128, 128), 0)
               == lax.broadcasted_iota(jnp.int32, (128, 128), 1)
               ).astype(jnp.float32)
        col = lax.dot_general(eye, r, (((1,), (1,)), ((), ())),
                              preferred_element_type=jnp.float32)
        o_ref[...] = jnp.broadcast_to(col, (128, 128))

    return pl.pallas_call(
        body,
        grid=(n_pad // 128,),
        in_specs=[pl.BlockSpec((NC, n_pad // 128, 128), lambda i: (0, 0, 0))],
        out_specs=pl.BlockSpec((128, 128), lambda i: (i, 0)),
        out_shape=jax.ShapeDtypeStruct((n_pad, 128), jnp.float32),
    )(cnt3)


def _combine(sums2, rcpb, xin, wl, bl, wr, *, relu, n_pad, h, blk):

    def body(s_ref, r_ref, x_ref, wl_ref, bl_ref, wr_ref, o_ref):
        s = s_ref[0] + s_ref[1]
        agg = s * r_ref[...]
        o = (jnp.dot(agg, wl_ref[...], preferred_element_type=jnp.float32)
             + bl_ref[...]
             + jnp.dot(x_ref[...], wr_ref[...],
                       preferred_element_type=jnp.float32))
        ss = jnp.sum(o * o, axis=-1, keepdims=True)
        inv = 1.0 / jnp.maximum(jnp.sqrt(ss), 1e-12)
        o = o * inv
        if relu:
            o = jnp.maximum(o, 0.0)
        o_ref[...] = o

    d = xin.shape[1]
    return pl.pallas_call(
        body,
        grid=(n_pad // blk,),
        in_specs=[
            pl.BlockSpec((NC, blk, d), lambda i: (0, i, 0)),
            pl.BlockSpec((blk, h), lambda i: (i, 0)),
            pl.BlockSpec((blk, d), lambda i: (i, 0)),
            pl.BlockSpec((d, h), lambda i: (0, 0)),
            pl.BlockSpec((1, h), lambda i: (0, 0)),
            pl.BlockSpec((d, h), lambda i: (0, 0)),
        ],
        out_specs=pl.BlockSpec((blk, h), lambda i: (i, 0)),
        out_shape=jax.ShapeDtypeStruct((n_pad, h), jnp.float32),
    )(sums2, rcpb, xin, wl, bl.reshape(1, h), wr)


def kernel(x, edge_index, Wl0, bl0, Wr0, Wl1, bl1, Wr1):
    n, d = x.shape
    h = Wl0.shape[1]
    e = edge_index.shape[1]

    n_pad = -(-(n + 1) // 128) * 128
    blk = n_pad // NS
    k = -(-(-(-e // (NW * C))) // 8) * 8
    e_pad = NW * C * k
    rpt = n_pad // NS

    src = jnp.concatenate(
        [edge_index[0], jnp.zeros((e_pad - e,), jnp.int32)]).reshape(NW * k, C)
    dst = jnp.concatenate(
        [edge_index[1], jnp.full((e_pad - e,), n, jnp.int32)]).reshape(NW * k, C)
    sd = jnp.stack([src, dst], axis=1)
    x_p = jnp.pad(x, ((0, n_pad - n), (0, 0)))
    zrows = jnp.zeros((rpt, d), jnp.float32)
    ones_c = jnp.ones((C,), jnp.float32)

    n_pad_c = -(-(n + 1) // 2048) * 2048
    zrow1 = jnp.zeros((n_pad_c // NS,), jnp.float32)
    cnt = _sc_counts(sd, zrow1, ones_c, n_pad=n_pad_c, k=k)
    sums0 = _sc_segment_sums(x_p, sd, zrows, n_pad=n_pad, h=d, k=k)
    cnt3 = cnt.reshape(NC, n_pad_c)[:, :n_pad].reshape(NC, n_pad // 128, 128)
    rcpb = _prep_rcp(cnt3, n_pad=n_pad)
    h1 = _combine(sums0.reshape(NC, n_pad, d), rcpb, x_p, Wl0, bl0, Wr0,
                  relu=True, n_pad=n_pad, h=h, blk=blk)
    sums1 = _sc_segment_sums(h1, sd, zrows, n_pad=n_pad, h=h, k=k)
    out = _combine(sums1.reshape(NC, n_pad, h), rcpb, h1, Wl1, bl1, Wr1,
                   relu=False, n_pad=n_pad, h=h, blk=blk)
    return out[:n]

# --- scband reference (transcript-rebuilt; emitter-appended) ---
"""Pipeline reference for scband-gnnencoder-9294309228756 (READ-ONLY COPY).

The authoritative reference and input builder live on the scoring server;
editing this copy changes nothing except your own understanding.
"""

import jax, jax.numpy as jnp
import numpy as np

N = 10000
E = 320000
D = 128
H = 128


def setup_inputs(seed: int = 0) -> dict:
    key = jax.random.key(seed)
    ks = jax.random.split(key, 9)
    x = jax.random.normal(ks[0], (N, D), dtype=jnp.float32)
    edge_index = jax.random.randint(ks[1], (2, E), 0, N, dtype=jnp.int32)
    s = 1.0 / np.sqrt(D)
    # SAGEConv params per layer: lin_l (neighbor aggr, with bias), lin_r (root, no bias)
    Wl0 = jax.random.normal(ks[2], (D, H), dtype=jnp.float32) * s
    bl0 = jnp.zeros((H,), dtype=jnp.float32)
    Wr0 = jax.random.normal(ks[3], (D, H), dtype=jnp.float32) * s
    Wl1 = jax.random.normal(ks[4], (H, H), dtype=jnp.float32) * s
    bl1 = jnp.zeros((H,), dtype=jnp.float32)
    Wr1 = jax.random.normal(ks[5], (H, H), dtype=jnp.float32) * s
    return {"x": x, "edge_index": edge_index, "Wl0": Wl0, "bl0": bl0, "Wr0": Wr0,
            "Wl1": Wl1, "bl1": bl1, "Wr1": Wr1}


def _mean_aggr(x_src, dst, num_nodes):
    s = jax.ops.segment_sum(x_src, dst, num_segments=num_nodes)
    cnt = jax.ops.segment_sum(jnp.ones((dst.shape[0],), x_src.dtype), dst, num_segments=num_nodes)
    return s / jnp.maximum(cnt, 1.0)[:, None]


def _sage_conv(x, edge_index, Wl, bl, Wr):
    # PyG SAGEConv: out = lin_l(mean_aggr(x_j)) + lin_r(x_root); normalize=True -> L2 normalize
    src = edge_index[0]
    dst = edge_index[1]
    agg = _mean_aggr(jnp.take(x, src, axis=0), dst, x.shape[0])
    out = agg @ Wl + bl + x @ Wr
    norm = jnp.linalg.norm(out, axis=-1, keepdims=True)
    return out / jnp.maximum(norm, 1e-12)


def reference(x, edge_index, Wl0, bl0, Wr0, Wl1, bl1, Wr1):
    h = _sage_conv(x, edge_index, Wl0, bl0, Wr0)
    h = jax.nn.relu(h)  # relu on all but last layer
    h = _sage_conv(h, edge_index, Wl1, bl1, Wr1)
    return h

if __name__ == "__main__":
    import jax
    _d = setup_inputs()
    print(jax.jit(kernel)(*tuple(_d.values())))

</pallas_src>

<mosaic_0001>
#map = affine_map<(d0, d1) -> (0, 0)>
#map1 = affine_map<(d0, d1) -> (0, 0, 0)>
module attributes {stable_mosaic.version = 14 : i64} {
  func.func @body(%arg0: i32, %arg1: i32, %arg2: memref<10112x128xf32, #tpu.memory_space<hbm>>, %arg3: memref<2560x2x128xi32, #tpu.memory_space<hbm>>, %arg4: memref<632x128xf32, #tpu.memory_space<hbm>>, %arg5: memref<20224x128xf32, #tpu.memory_space<hbm>>, %arg6: memref<3x2x128xi32, #tpu.memory_space<vmem>>, %arg7: memref<3x!tpu.dma_semaphore, #tpu.memory_space<semaphore_mem>>, %arg8: memref<3x128x128xf32, #tpu.memory_space<vmem>>, %arg9: memref<3x!tpu.dma_semaphore, #tpu.memory_space<semaphore_mem>>, %arg10: memref<3x!tpu.dma_semaphore, #tpu.memory_space<semaphore_mem>>, %arg11: memref<10112x128xf32, #tpu.memory_space<vmem_shared>>) attributes {dimension_semantics = [#tpu.dimension_semantics<core_parallel>, #tpu.dimension_semantics<subcore_parallel>], iteration_bounds = array<i64: 2, 16>, scalar_prefetch = 0 : i64, scratch_operands = 6 : i64, tpu.core_type = #tpu.core_type<sc_vector_subcore>, window_params = [{transform_indices = #map}, {transform_indices = #map1}, {transform_indices = #map}, {transform_indices = #map}]} {
    %mul3A = arith.constant 16 : i32
    %mul3A_0 = arith.muli %arg0, %mul3A : i32
    %add3A = arith.addi %mul3A_0, %arg1 : i32
    %mul3A_1 = arith.constant 80 : i32
    %mul3A_2 = arith.muli %add3A, %mul3A_1 : i32
    %mul3A_3 = arith.constant 632 : i32
    %mul3A_4 = arith.muli %arg1, %mul3A_3 : i32
    "tpu.region"() ({
      %run_scoped3A = tpu.sem_alloc : memref<!tpu.dma_semaphore, #tpu.memory_space<semaphore_mem>>
      %dma_start3A_151 = arith.constant 0 : i32
      %dma_start3A_152 = tpu.memref_slice %arg11[%mul3A_4, %dma_start3A_151] : memref<10112x128xf32, #tpu.memory_space<vmem_shared>> -> memref<632x128xf32, #tpu.memory_space<vmem_shared>>
      tpu.enqueue_dma source(%arg4 : memref<632x128xf32, #tpu.memory_space<hbm>>) target(%dma_start3A_152 : memref<632x128xf32, #tpu.memory_space<vmem_shared>>) target_semaphore(%run_scoped3A : memref<!tpu.dma_semaphore, #tpu.memory_space<semaphore_mem>>)
      %dma_wait3A_153 = arith.constant 0 : i32
      %dma_wait3A_154 = tpu.memref_slice %arg11[%mul3A_4, %dma_wait3A_153] : memref<10112x128xf32, #tpu.memory_space<vmem_shared>> -> memref<632x128xf32, #tpu.memory_space<vmem_shared>>
      tpu.wait_dma2 semaphore(%run_scoped3A : memref<!tpu.dma_semaphore, #tpu.memory_space<semaphore_mem>>) src(%arg4 : memref<632x128xf32, #tpu.memory_space<hbm>>) dst(%dma_wait3A_154 : memref<632x128xf32, #tpu.memory_space<vmem_shared>>)
      tpu.yield
    }) : () -> ()
    %barrier3A = arith.constant 0 : index
    tpu.barrier barrier_id(%barrier3A)
    %add3A_5 = arith.constant 0 : i32
    %add3A_6 = arith.addi %mul3A_2, %add3A_5 : i32
    %dma_start3A = arith.constant 0 : i32
    %dma_start3A_7 = arith.constant 0 : i32
    %dma_start3A_8 = arith.constant 0 : i32
    %dma_start3A_9 = arith.constant 0 : i32
    %dma_start3A_10 = tpu.memref_slice %arg6[%dma_start3A, %dma_start3A_8, %dma_start3A_9] : memref<3x2x128xi32, #tpu.memory_space<vmem>> -> memref<1x2x128xi32, #tpu.memory_space<vmem>>
    %dma_start3A_11 = tpu.memref_squeeze %dma_start3A_10 : memref<1x2x128xi32, #tpu.memory_space<vmem>> -> memref<2x128xi32, #tpu.memory_space<vmem>>
    %dma_start3A_12 = arith.constant 0 : i32
    %dma_start3A_13 = arith.constant 0 : i32
    %dma_start3A_14 = tpu.memref_slice %arg3[%add3A_6, %dma_start3A_12, %dma_start3A_13] : memref<2560x2x128xi32, #tpu.memory_space<hbm>> -> memref<1x2x128xi32, #tpu.memory_space<hbm>>
    %dma_start3A_15 = tpu.memref_squeeze %dma_start3A_14 : memref<1x2x128xi32, #tpu.memory_space<hbm>> -> memref<2x128xi32, #tpu.memory_space<hbm>>
    %dma_start3A_16 = tpu.memref_slice %arg7[%dma_start3A_7] : memref<3x!tpu.dma_semaphore, #tpu.memory_space<semaphore_mem>> -> memref<1x!tpu.dma_semaphore, #tpu.memory_space<semaphore_mem>>
    %dma_start3A_17 = tpu.memref_squeeze %dma_start3A_16 : memref<1x!tpu.dma_semaphore, #tpu.memory_space<semaphore_mem>> -> memref<!tpu.dma_semaphore, #tpu.memory_space<semaphore_mem>>
    %dma_start3A_18 = arith.constant 0 : i32
    %dma_start3A_19 = arith.constant 0 : i32
    %dma_start3A_20 = tpu.memref_slice %arg6[%dma_start3A, %dma_start3A_18, %dma_start3A_19] : memref<3x2x128xi32, #tpu.memory_space<vmem>> -> memref<1x2x128xi32, #tpu.memory_space<vmem>>
    %dma_start3A_21 = tpu.memref_squeeze %dma_start3A_20 : memref<1x2x128xi32, #tpu.memory_space<vmem>> -> memref<2x128xi32, #tpu.memory_space<vmem>>
    %dma_start3A_22 = arith.constant 0 : i32
    %dma_start3A_23 = arith.constant 0 : i32
    %dma_start3A_24 = tpu.memref_slice %arg3[%add3A_6, %dma_start3A_22, %dma_start3A_23] : memref<2560x2x128xi32, #tpu.memory_space<hbm>> -> memref<1x2x128xi32, #tpu.memory_space<hbm>>
    %dma_start3A_25 = tpu.memref_squeeze %dma_start3A_24 : memref<1x2x128xi32, #tpu.memory_space<hbm>> -> memref<2x128xi32, #tpu.memory_space<hbm>>
    tpu.enqueue_dma source(%dma_start3A_25 : memref<2x128xi32, #tpu.memory_space<hbm>>) target(%dma_start3A_21 : memref<2x128xi32, #tpu.memory_space<vmem>>) target_semaphore(%dma_start3A_17 : memref<!tpu.dma_semaphore, #tpu.memory_space<semaphore_mem>>)
    %add3A_26 = arith.constant 1 : i32
    %add3A_27 = arith.addi %mul3A_2, %add3A_26 : i32
    %dma_start3A_28 = arith.constant 1 : i32
    %dma_start3A_29 = arith.constant 1 : i32
    %dma_start3A_30 = arith.constant 0 : i32
    %dma_start3A_31 = arith.constant 0 : i32
    %dma_start3A_32 = tpu.memref_slice %arg6[%dma_start3A_28, %dma_start3A_30, %dma_start3A_31] : memref<3x2x128xi32, #tpu.memory_space<vmem>> -> memref<1x2x128xi32, #tpu.memory_space<vmem>>
    %dma_start3A_33 = tpu.memref_squeeze %dma_start3A_32 : memref<1x2x128xi32, #tpu.memory_space<vmem>> -> memref<2x128xi32, #tpu.memory_space<vmem>>
    %dma_start3A_34 = arith.constant 0 : i32
    %dma_start3A_35 = arith.constant 0 : i32
    %dma_start3A_36 = tpu.memref_slice %arg3[%add3A_27, %dma_start3A_34, %dma_start3A_35] : memref<2560x2x128xi32, #tpu.memory_space<hbm>> -> memref<1x2x128xi32, #tpu.memory_space<hbm>>
    %dma_start3A_37 = tpu.memref_squeeze %dma_start3A_36 : memref<1x2x128xi32, #tpu.memory_space<hbm>> -> memref<2x128xi32, #tpu.memory_space<hbm>>
    %dma_start3A_38 = tpu.memref_slice %arg7[%dma_start3A_29] : memref<3x!tpu.dma_semaphore, #tpu.memory_space<semaphore_mem>> -> memref<1x!tpu.dma_semaphore, #tpu.memory_space<semaphore_mem>>
    %dma_start3A_39 = tpu.memref_squeeze %dma_start3A_38 : memref<1x!tpu.dma_semaphore, #tpu.memory_space<semaphore_mem>> -> memref<!tpu.dma_semaphore, #tpu.memory_space<semaphore_mem>>
    %dma_start3A_40 = arith.constant 0 : i32
    %dma_start3A_41 = arith.constant 0 : i32
    %dma_start3A_42 = tpu.memref_slice %arg6[%dma_start3A_28, %dma_start3A_40, %dma_start3A_41] : memref<3x2x128xi32, #tpu.memory_space<vmem>> -> memref<1x2x128xi32, #tpu.memory_space<vmem>>
    %dma_start3A_43 = tpu.memref_squeeze %dma_start3A_42 : memref<1x2x128xi32, #tpu.memory_space<vmem>> -> memref<2x128xi32, #tpu.memory_space<vmem>>
    %dma_start3A_44 = arith.constant 0 : i32
    %dma_start3A_45 = arith.constant 0 : i32
    %dma_start3A_46 = tpu.memref_slice %arg3[%add3A_27, %dma_start3A_44, %dma_start3A_45] : memref<2560x2x128xi32, #tpu.memory_space<hbm>> -> memref<1x2x128xi32, #tpu.memory_space<hbm>>
    %dma_start3A_47 = tpu.memref_squeeze %dma_start3A_46 : memref<1x2x128xi32, #tpu.memory_space<hbm>> -> memref<2x128xi32, #tpu.memory_space<hbm>>
    tpu.enqueue_dma source(%dma_start3A_47 : memref<2x128xi32, #tpu.memory_space<hbm>>) target(%dma_start3A_43 : memref<2x128xi32, #tpu.memory_space<vmem>>) target_semaphore(%dma_start3A_39 : memref<!tpu.dma_semaphore, #tpu.memory_space<semaphore_mem>>)
    %add3A_48 = arith.constant 0 : i32
    %add3A_49 = arith.addi %mul3A_2, %add3A_48 : i32
    %dma_wait3A = arith.constant 0 : i32
    %dma_wait3A_50 = arith.constant 0 : i32
    %dma_wait3A_51 = arith.constant 0 : i32
    %dma_wait3A_52 = arith.constant 0 : i32
    %dma_wait3A_53 = tpu.memref_slice %arg6[%dma_wait3A, %dma_wait3A_51, %dma_wait3A_52] : memref<3x2x128xi32, #tpu.memory_space<vmem>> -> memref<1x2x128xi32, #tpu.memory_space<vmem>>
    %dma_wait3A_54 = tpu.memref_squeeze %dma_wait3A_53 : memref<1x2x128xi32, #tpu.memory_space<vmem>> -> memref<2x128xi32, #tpu.memory_space<vmem>>
    %dma_wait3A_55 = arith.constant 0 : i32
    %dma_wait3A_56 = arith.constant 0 : i32
    %dma_wait3A_57 = tpu.memref_slice %arg3[%add3A_49, %dma_wait3A_55, %dma_wait3A_56] : memref<2560x2x128xi32, #tpu.memory_space<hbm>> -> memref<1x2x128xi32, #tpu.memory_space<hbm>>
    %dma_wait3A_58 = tpu.memref_squeeze %dma_wait3A_57 : memref<1x2x128xi32, #tpu.memory_space<hbm>> -> memref<2x128xi32, #tpu.memory_space<hbm>>
    %dma_wait3A_59 = tpu.memref_slice %arg7[%dma_wait3A_50] : memref<3x!tpu.dma_semaphore, #tpu.memory_space<semaphore_mem>> -> memref<1x!tpu.dma_semaphore, #tpu.memory_space<semaphore_mem>>
    %dma_wait3A_60 = tpu.memref_squeeze %dma_wait3A_59 : memref<1x!tpu.dma_semaphore, #tpu.memory_space<semaphore_mem>> -> memref<!tpu.dma_semaphore, #tpu.memory_space<semaphore_mem>>
    %dma_wait3A_61 = arith.constant 0 : i32
    %dma_wait3A_62 = arith.constant 0 : i32
    %dma_wait3A_63 = tpu.memref_slice %arg6[%dma_wait3A, %dma_wait3A_61, %dma_wait3A_62] : memref<3x2x128xi32, #tpu.memory_space<vmem>> -> memref<1x2x128xi32, #tpu.memory_space<vmem>>
    %dma_wait3A_64 = tpu.memref_squeeze %dma_wait3A_63 : memref<1x2x128xi32, #tpu.memory_space<vmem>> -> memref<2x128xi32, #tpu.memory_space<vmem>>
    %dma_wait3A_65 = arith.constant 0 : i32
    %dma_wait3A_66 = arith.constant 0 : i32
    %dma_wait3A_67 = tpu.memref_slice %arg3[%add3A_49, %dma_wait3A_65, %dma_wait3A_66] : memref<2560x2x128xi32, #tpu.memory_space<hbm>> -> memref<1x2x128xi32, #tpu.memory_space<hbm>>
    %dma_wait3A_68 = tpu.memref_squeeze %dma_wait3A_67 : memref<1x2x128xi32, #tpu.memory_space<hbm>> -> memref<2x128xi32, #tpu.memory_space<hbm>>
    tpu.wait_dma2 semaphore(%dma_wait3A_60 : memref<!tpu.dma_semaphore, #tpu.memory_space<semaphore_mem>>) src(%dma_wait3A_68 : memref<2x128xi32, #tpu.memory_space<hbm>>) dst(%dma_wait3A_64 : memref<2x128xi32, #tpu.memory_space<vmem>>)
    %dma_start3A_69 = arith.constant 0 : i32
    %dma_start3A_70 = arith.constant 0 : i32
    %dma_start3A_71 = arith.constant 0 : i32
    %dma_start3A_72 = arith.constant 0 : i32
    %dma_start3A_73 = arith.constant 0 : i32
    %dma_start3A_74 = arith.constant 0 : i32
    %dma_start3A_75 = tpu.memref_slice %arg8[%dma_start3A_71, %dma_start3A_73, %dma_start3A_74] : memref<3x128x128xf32, #tpu.memory_space<vmem>> -> memref<1x128x128xf32, #tpu.memory_space<vmem>>
    %dma_start3A_76 = tpu.memref_squeeze %dma_start3A_75 : memref<1x128x128xf32, #tpu.memory_space<vmem>> -> memref<128x128xf32, #tpu.memory_space<vmem>>
    %dma_start3A_77 = arith.constant 0 : i32
    %dma_start3A_78 = tpu.memref_slice %arg6[%dma_start3A_69, %dma_start3A_70, %dma_start3A_77] : memref<3x2x128xi32, #tpu.memory_space<vmem>> -> memref<1x1x128xi32, #tpu.memory_space<vmem>>
    %dma_start3A_79 = tpu.memref_squeeze %dma_start3A_78 : memref<1x1x128xi32, #tpu.memory_space<vmem>> -> memref<128xi32, #tpu.memory_space<vmem>>
    %dma_start3A_80 = arith.constant 0 : i32
    %dma_start3A_81 = arith.constant 0 : i32
    %dma_start3A_82 = tpu.memref_slice %arg2[%dma_start3A_80, %dma_start3A_81] : memref<10112x128xf32, #tpu.memory_space<hbm>> -> memref<10112x128xf32, #tpu.memory_space<hbm>>
    %dma_start3A_83 = tpu.memref_slice %arg9[%dma_start3A_72] : memref<3x!tpu.dma_semaphore, #tpu.memory_space<semaphore_mem>> -> memref<1x!tpu.dma_semaphore, #tpu.memory_space<semaphore_mem>>
    %dma_start3A_84 = tpu.memref_squeeze %dma_start3A_83 : memref<1x!tpu.dma_semaphore, #tpu.memory_space<semaphore_mem>> -> memref<!tpu.dma_semaphore, #tpu.memory_space<semaphore_mem>>
    tpu.enqueue_indirect_dma source(%dma_start3A_82 : memref<10112x128xf32, #tpu.memory_space<hbm>>) target(%dma_start3A_76 : memref<128x128xf32, #tpu.memory_space<vmem>>) offsets(%dma_start3A_79 : memref<128xi32, #tpu.memory_space<vmem>>) semaphore(%dma_start3A_84 : memref<!tpu.dma_semaphore, #tpu.memory_space<semaphore_mem>>)
    %add3A_85 = arith.constant 1 : i32
    %add3A_86 = arith.addi %mul3A_2, %add3A_85 : i32
    %dma_wait3A_87 = arith.constant 1 : i32
    %dma_wait3A_88 = arith.constant 1 : i32
    %dma_wait3A_89 = arith.constant 0 : i32
    %dma_wait3A_90 = arith.constant 0 : i32
    %dma_wait3A_91 = tpu.memref_slice %arg6[%dma_wait3A_87, %dma_wait3A_89, %dma_wait3A_90] : memref<3x2x128xi32, #tpu.memory_space<vmem>> -> memref<1x2x128xi32, #tpu.memory_space<vmem>>
    %dma_wait3A_92 = tpu.memref_squeeze %dma_wait3A_91 : memref<1x2x128xi32, #tpu.memory_space<vmem>> -> memref<2x128xi32, #tpu.memory_space<vmem>>
    %dma_wait3A_93 = arith.constant 0 : i32
    %dma_wait3A_94 = arith.constant 0 : i32
    %dma_wait3A_95 = tpu.memref_slice %arg3[%add3A_86, %dma_wait3A_93, %dma_wait3A_94] : memref<2560x2x128xi32, #tpu.memory_space<hbm>> -> memref<1x2x128xi32, #tpu.memory_space<hbm>>
    %dma_wait3A_96 = tpu.memref_squeeze %dma_wait3A_95 : memref<1x2x128xi32, #tpu.memory_space<hbm>> -> memref<2x128xi32, #tpu.memory_space<hbm>>
    %dma_wait3A_97 = tpu.memref_slice %arg7[%dma_wait3A_88] : memref<3x!tpu.dma_semaphore, #tpu.memory_space<semaphore_mem>> -> memref<1x!tpu.dma_semaphore, #tpu.memory_space<semaphore_mem>>
    %dma_wait3A_98 = tpu.memref_squeeze %dma_wait3A_97 : memref<1x!tpu.dma_semaphore, #tpu.memory_space<semaphore_mem>> -> memref<!tpu.dma_semaphore, #tpu.memory_space<semaphore_mem>>
    %dma_wait3A_99 = arith.constant 0 : i32
    %dma_wait3A_100 = arith.constant 0 : i32
    %dma_wait3A_101 = tpu.memref_slice %arg6[%dma_wait3A_87, %dma_wait3A_99, %dma_wait3A_100] : memref<3x2x128xi32, #tpu.memory_space<vmem>> -> memref<1x2x128xi32, #tpu.memory_space<vmem>>
    %dma_wait3A_102 = tpu.memref_squeeze %dma_wait3A_101 : memref<1x2x128xi32, #tpu.memory_space<vmem>> -> memref<2x128xi32, #tpu.memory_space<vmem>>
    %dma_wait3A_103 = arith.constant 0 : i32
    %dma_wait3A_104 = arith.constant 0 : i32
    %dma_wait3A_105 = tpu.memref_slice %arg3[%add3A_86, %dma_wait3A_103, %dma_wait3A_104] : memref<2560x2x128xi32, #tpu.memory_space<hbm>> -> memref<1x2x128xi32, #tpu.memory_space<hbm>>
    %dma_wait3A_106 = tpu.memref_squeeze %dma_wait3A_105 : memref<1x2x128xi32, #tpu.memory_space<hbm>> -> memref<2x128xi32, #tpu.memory_space<hbm>>
    tpu.wait_dma2 semaphore(%dma_wait3A_98 : memref<!tpu.dma_semaphore, #tpu.memory_space<semaphore_mem>>) src(%dma_wait3A_106 : memref<2x128xi32, #tpu.memory_space<hbm>>) dst(%dma_wait3A_102 : memref<2x128xi32, #tpu.memory_space<vmem>>)
    %dma_start3A_107 = arith.constant 1 : i32
    %dma_start3A_108 = arith.constant 0 : i32
    %dma_start3A_109 = arith.constant 1 : i32
    %dma_start3A_110 = arith.constant 1 : i32
    %dma_start3A_111 = arith.constant 0 : i32
    %dma_start3A_112 = arith.constant 0 : i32
    %dma_start3A_113 = tpu.memref_slice %arg8[%dma_start3A_109, %dma_start3A_111, %dma_start3A_112] : memref<3x128x128xf32, #tpu.memory_space<vmem>> -> memref<1x128x128xf32, #tpu.memory_space<vmem>>
    %dma_start3A_114 = tpu.memref_squeeze %dma_start3A_113 : memref<1x128x128xf32, #tpu.memory_space<vmem>> -> memref<128x128xf32, #tpu.memory_space<vmem>>
    %dma_start3A_115 = arith.constant 0 : i32
    %dma_start3A_116 = tpu.memref_slice %arg6[%dma_start3A_107, %dma_start3A_108, %dma_start3A_115] : memref<3x2x128xi32, #tpu.memory_space<vmem>> -> memref<1x1x128xi32, #tpu.memory_space<vmem>>
    %dma_start3A_117 = tpu.memref_squeeze %dma_start3A_116 : memref<1x1x128xi32, #tpu.memory_space<vmem>> -> memref<128xi32, #tpu.memory_space<vmem>>
    %dma_start3A_118 = arith.constant 0 : i32
    %dma_start3A_119 = arith.constant 0 : i32
    %dma_start3A_120 = tpu.memref_slice %arg2[%dma_start3A_118, %dma_start3A_119] : memref<10112x128xf32, #tpu.memory_space<hbm>> -> memref<10112x128xf32, #tpu.memory_space<hbm>>
    %dma_start3A_121 = tpu.memref_slice %arg9[%dma_start3A_110] : memref<3x!tpu.dma_semaphore, #tpu.memory_space<semaphore_mem>> -> memref<1x!tpu.dma_semaphore, #tpu.memory_space<semaphore_mem>>
    %dma_start3A_122 = tpu.memref_squeeze %dma_start3A_121 : memref<1x!tpu.dma_semaphore, #tpu.memory_space<semaphore_mem>> -> memref<!tpu.dma_semaphore, #tpu.memory_space<semaphore_mem>>
    tpu.enqueue_indirect_dma source(%dma_start3A_120 : memref<10112x128xf32, #tpu.memory_space<hbm>>) target(%dma_start3A_114 : memref<128x128xf32, #tpu.memory_space<vmem>>) offsets(%dma_start3A_117 : memref<128xi32, #tpu.memory_space<vmem>>) semaphore(%dma_start3A_122 : memref<!tpu.dma_semaphore, #tpu.memory_space<semaphore_mem>>)
    %scan3A = arith.constant 0 : i32
    %scan3A_123 = arith.constant 80 : i32
    %scan3A_124 = arith.addi %scan3A, %scan3A_123 : i32
    %scan3A_125 = arith.constant 1 : i32
    scf.for %scan3A_151 = %scan3A to %scan3A_124 step %scan3A_125  : i32 {
      %mul3A_152 = arith.constant 1 : i32
      %mul3A_153 = arith.muli %scan3A_151, %mul3A_152 : i32
      %add3A_154 = arith.constant 0 : i32
      %add3A_155 = arith.addi %add3A_154, %mul3A_153 : i32
      %rem3A = arith.constant 3 : i32
      %rem3A_156 = arith.remsi %add3A_155, %rem3A : i32
      %add3A_157 = arith.constant 2 : i32
      %add3A_158 = arith.addi %add3A_155, %add3A_157 : i32
      %rem3A_159 = arith.constant 3 : i32
      %rem3A_160 = arith.remsi %add3A_158, %rem3A_159 : i32
      %ge3A = arith.constant 1 : i32
      %ge3A_161 = arith.cmpi sge, %add3A_155, %ge3A : i32
      %convert_element_type3A = arith.extui %ge3A_161 : i1 to i32
      %cond3A = arith.constant 0 : i32
      %cond3A_162 = arith.cmpi ne, %convert_element_type3A, %cond3A : i32
      scf.if %cond3A_162 {
        %dma_wait3A_202 = arith.constant 1 : i32
        %dma_wait3A_203 = arith.constant 0 : i32
        %dma_wait3A_204 = arith.constant 0 : i32
        %dma_wait3A_205 = tpu.memref_slice %arg8[%rem3A_160, %dma_wait3A_203, %dma_wait3A_204] : memref<3x128x128xf32, #tpu.memory_space<vmem>> -> memref<1x128x128xf32, #tpu.memory_space<vmem>>
        %dma_wait3A_206 = tpu.memref_squeeze %dma_wait3A_205 : memref<1x128x128xf32, #tpu.memory_space<vmem>> -> memref<128x128xf32, #tpu.memory_space<vmem>>
        %dma_wait3A_207 = arith.constant 0 : i32
        %dma_wait3A_208 = tpu.memref_slice %arg6[%rem3A_160, %dma_wait3A_202, %dma_wait3A_207] : memref<3x2x128xi32, #tpu.memory_space<vmem>> -> memref<1x1x128xi32, #tpu.memory_space<vmem>>
        %dma_wait3A_209 = tpu.memref_squeeze %dma_wait3A_208 : memref<1x1x128xi32, #tpu.memory_space<vmem>> -> memref<128xi32, #tpu.memory_space<vmem>>
        %dma_wait3A_210 = arith.constant 0 : i32
        %dma_wait3A_211 = arith.constant 0 : i32
        %dma_wait3A_212 = tpu.memref_slice %arg11[%dma_wait3A_210, %dma_wait3A_211] : memref<10112x128xf32, #tpu.memory_space<vmem_shared>> -> memref<10112x128xf32, #tpu.memory_space<vmem_shared>>
        %dma_wait3A_213 = tpu.memref_slice %arg10[%rem3A_160] : memref<3x!tpu.dma_semaphore, #tpu.memory_space<semaphore_mem>> -> memref<1x!tpu.dma_semaphore, #tpu.memory_space<semaphore_mem>>
        %dma_wait3A_214 = tpu.memref_squeeze %dma_wait3A_213 : memref<1x!tpu.dma_semaphore, #tpu.memory_space<semaphore_mem>> -> memref<!tpu.dma_semaphore, #tpu.memory_space<semaphore_mem>>
        tpu.wait_indirect_dma semaphore(%dma_wait3A_214 : memref<!tpu.dma_semaphore, #tpu.memory_space<semaphore_mem>>) src(%dma_wait3A_206 : memref<128x128xf32, #tpu.memory_space<vmem>>) dst(%dma_wait3A_212 : memref<10112x128xf32, #tpu.memory_space<vmem_shared>>)
      } else {
      }
      %add3A_163 = arith.constant 2 : i32
      %add3A_164 = arith.addi %add3A_155, %add3A_163 : i32
      %lt3A = arith.constant 80 : i32
      %lt3A_165 = arith.cmpi slt, %add3A_164, %lt3A : i32
      %convert_element_type3A_166 = arith.extui %lt3A_165 : i1 to i32
      %cond3A_167 = arith.constant 0 : i32
      %cond3A_168 = arith.cmpi ne, %convert_element_type3A_166, %cond3A_167 : i32
      scf.if %cond3A_168 {
        %add3A_202 = arith.addi %mul3A_2, %add3A_155 : i32
        %add3A_203 = arith.constant 2 : i32
        %add3A_204 = arith.addi %add3A_202, %add3A_203 : i32
        %dma_start3A_205 = arith.constant 0 : i32
        %dma_start3A_206 = arith.constant 0 : i32
        %dma_start3A_207 = tpu.memref_slice %arg6[%rem3A_160, %dma_start3A_205, %dma_start3A_206] : memref<3x2x128xi32, #tpu.memory_space<vmem>> -> memref<1x2x128xi32, #tpu.memory_space<vmem>>
        %dma_start3A_208 = tpu.memref_squeeze %dma_start3A_207 : memref<1x2x128xi32, #tpu.memory_space<vmem>> -> memref<2x128xi32, #tpu.memory_space<vmem>>
        %dma_start3A_209 = arith.constant 0 : i32
        %dma_start3A_210 = arith.constant 0 : i32
        %dma_start3A_211 = tpu.memref_slice %arg3[%add3A_204, %dma_start3A_209, %dma_start3A_210] : memref<2560x2x128xi32, #tpu.memory_space<hbm>> -> memref<1x2x128xi32, #tpu.memory_space<hbm>>
        %dma_start3A_212 = tpu.memref_squeeze %dma_start3A_211 : memref<1x2x128xi32, #tpu.memory_space<hbm>> -> memref<2x128xi32, #tpu.memory_space<hbm>>
        %dma_start3A_213 = tpu.memref_slice %arg7[%rem3A_160] : memref<3x!tpu.dma_semaphore, #tpu.memory_space<semaphore_mem>> -> memref<1x!tpu.dma_semaphore, #tpu.memory_space<semaphore_mem>>
        %dma_start3A_214 = tpu.memref_squeeze %dma_start3A_213 : memref<1x!tpu.dma_semaphore, #tpu.memory_space<semaphore_mem>> -> memref<!tpu.dma_semaphore, #tpu.memory_space<semaphore_mem>>
        %dma_start3A_215 = arith.constant 0 : i32
        %dma_start3A_216 = arith.constant 0 : i32
        %dma_start3A_217 = tpu.memref_slice %arg6[%rem3A_160, %dma_start3A_215, %dma_start3A_216] : memref<3x2x128xi32, #tpu.memory_space<vmem>> -> memref<1x2x128xi32, #tpu.memory_space<vmem>>
        %dma_start3A_218 = tpu.memref_squeeze %dma_start3A_217 : memref<1x2x128xi32, #tpu.memory_space<vmem>> -> memref<2x128xi32, #tpu.memory_space<vmem>>
        %dma_start3A_219 = arith.constant 0 : i32
        %dma_start3A_220 = arith.constant 0 : i32
        %dma_start3A_221 = tpu.memref_slice %arg3[%add3A_204, %dma_start3A_219, %dma_start3A_220] : memref<2560x2x128xi32, #tpu.memory_space<hbm>> -> memref<1x2x128xi32, #tpu.memory_space<hbm>>
        %dma_start3A_222 = tpu.memref_squeeze %dma_start3A_221 : memref<1x2x128xi32, #tpu.memory_space<hbm>> -> memref<2x128xi32, #tpu.memory_space<hbm>>
        tpu.enqueue_dma source(%dma_start3A_222 : memref<2x128xi32, #tpu.memory_space<hbm>>) target(%dma_start3A_218 : memref<2x128xi32, #tpu.memory_space<vmem>>) target_semaphore(%dma_start3A_214 : memref<!tpu.dma_semaphore, #tpu.memory_space<semaphore_mem>>)
      } else {
      }
      %dma_wait3A_169 = arith.constant 0 : i32
      %dma_wait3A_170 = arith.constant 0 : i32
      %dma_wait3A_171 = arith.constant 0 : i32
      %dma_wait3A_172 = tpu.memref_slice %arg8[%rem3A_156, %dma_wait3A_170, %dma_wait3A_171] : memref<3x128x128xf32, #tpu.memory_space<vmem>> -> memref<1x128x128xf32, #tpu.memory_space<vmem>>
      %dma_wait3A_173 = tpu.memref_squeeze %dma_wait3A_172 : memref<1x128x128xf32, #tpu.memory_space<vmem>> -> memref<128x128xf32, #tpu.memory_space<vmem>>
      %dma_wait3A_174 = arith.constant 0 : i32
      %dma_wait3A_175 = tpu.memref_slice %arg6[%rem3A_156, %dma_wait3A_169, %dma_wait3A_174] : memref<3x2x128xi32, #tpu.memory_space<vmem>> -> memref<1x1x128xi32, #tpu.memory_space<vmem>>
      %dma_wait3A_176 = tpu.memref_squeeze %dma_wait3A_175 : memref<1x1x128xi32, #tpu.memory_space<vmem>> -> memref<128xi32, #tpu.memory_space<vmem>>
      %dma_wait3A_177 = arith.constant 0 : i32
      %dma_wait3A_178 = arith.constant 0 : i32
      %dma_wait3A_179 = tpu.memref_slice %arg2[%dma_wait3A_177, %dma_wait3A_178] : memref<10112x128xf32, #tpu.memory_space<hbm>> -> memref<10112x128xf32, #tpu.memory_space<hbm>>
      %dma_wait3A_180 = tpu.memref_slice %arg9[%rem3A_156] : memref<3x!tpu.dma_semaphore, #tpu.memory_space<semaphore_mem>> -> memref<1x!tpu.dma_semaphore, #tpu.memory_space<semaphore_mem>>
      %dma_wait3A_181 = tpu.memref_squeeze %dma_wait3A_180 : memref<1x!tpu.dma_semaphore, #tpu.memory_space<semaphore_mem>> -> memref<!tpu.dma_semaphore, #tpu.memory_space<semaphore_mem>>
      tpu.wait_indirect_dma semaphore(%dma_wait3A_181 : memref<!tpu.dma_semaphore, #tpu.memory_space<semaphore_mem>>) src(%dma_wait3A_179 : memref<10112x128xf32, #tpu.memory_space<hbm>>) dst(%dma_wait3A_173 : memref<128x128xf32, #tpu.memory_space<vmem>>)
      %dma_start3A_182 = arith.constant 1 : i32
      %dma_start3A_183 = arith.constant 0 : i32
      %dma_start3A_184 = arith.constant 0 : i32
      %dma_start3A_185 = tpu.memref_slice %arg8[%rem3A_156, %dma_start3A_183, %dma_start3A_184] : memref<3x128x128xf32, #tpu.memory_space<vmem>> -> memref<1x128x128xf32, #tpu.memory_space<vmem>>
      %dma_start3A_186 = tpu.memref_squeeze %dma_start3A_185 : memref<1x128x128xf32, #tpu.memory_space<vmem>> -> memref<128x128xf32, #tpu.memory_space<vmem>>
      %dma_start3A_187 = arith.constant 0 : i32
      %dma_start3A_188 = tpu.memref_slice %arg6[%rem3A_156, %dma_start3A_182, %dma_start3A_187] : memref<3x2x128xi32, #tpu.memory_space<vmem>> -> memref<1x1x128xi32, #tpu.memory_space<vmem>>
      %dma_start3A_189 = tpu.memref_squeeze %dma_start3A_188 : memref<1x1x128xi32, #tpu.memory_space<vmem>> -> memref<128xi32, #tpu.memory_space<vmem>>
      %dma_start3A_190 = arith.constant 0 : i32
      %dma_start3A_191 = arith.constant 0 : i32
      %dma_start3A_192 = tpu.memref_slice %arg11[%dma_start3A_190, %dma_start3A_191] : memref<10112x128xf32, #tpu.memory_space<vmem_shared>> -> memref<10112x128xf32, #tpu.memory_space<vmem_shared>>
      %dma_start3A_193 = tpu.memref_slice %arg10[%rem3A_156] : memref<3x!tpu.dma_semaphore, #tpu.memory_space<semaphore_mem>> -> memref<1x!tpu.dma_semaphore, #tpu.memory_space<semaphore_mem>>
      %dma_start3A_194 = tpu.memref_squeeze %dma_start3A_193 : memref<1x!tpu.dma_semaphore, #tpu.memory_space<semaphore_mem>> -> memref<!tpu.dma_semaphore, #tpu.memory_space<semaphore_mem>>
      tpu.enqueue_indirect_dma source(%dma_start3A_186 : memref<128x128xf32, #tpu.memory_space<vmem>>) target(%dma_start3A_192 : memref<10112x128xf32, #tpu.memory_space<vmem_shared>>) offsets(%dma_start3A_189 : memref<128xi32, #tpu.memory_space<vmem>>) semaphore(%dma_start3A_194 : memref<!tpu.dma_semaphore, #tpu.memory_space<semaphore_mem>>) {add = true}
      %add3A_195 = arith.constant 2 : i32
      %add3A_196 = arith.addi %add3A_155, %add3A_195 : i32
      %lt3A_197 = arith.constant 80 : i32
      %lt3A_198 = arith.cmpi slt, %add3A_196, %lt3A_197 : i32
      %convert_element_type3A_199 = arith.extui %lt3A_198 : i1 to i32
      %cond3A_200 = arith.constant 0 : i32
      %cond3A_201 = arith.cmpi ne, %convert_element_type3A_199, %cond3A_200 : i32
      scf.if %cond3A_201 {
        %add3A_202 = arith.addi %mul3A_2, %add3A_155 : i32
        %add3A_203 = arith.constant 2 : i32
        %add3A_204 = arith.addi %add3A_202, %add3A_203 : i32
        %dma_wait3A_205 = arith.constant 0 : i32
        %dma_wait3A_206 = arith.constant 0 : i32
        %dma_wait3A_207 = tpu.memref_slice %arg6[%rem3A_160, %dma_wait3A_205, %dma_wait3A_206] : memref<3x2x128xi32, #tpu.memory_space<vmem>> -> memref<1x2x128xi32, #tpu.memory_space<vmem>>
        %dma_wait3A_208 = tpu.memref_squeeze %dma_wait3A_207 : memref<1x2x128xi32, #tpu.memory_space<vmem>> -> memref<2x128xi32, #tpu.memory_space<vmem>>
        %dma_wait3A_209 = arith.constant 0 : i32
        %dma_wait3A_210 = arith.constant 0 : i32
        %dma_wait3A_211 = tpu.memref_slice %arg3[%add3A_204, %dma_wait3A_209, %dma_wait3A_210] : memref<2560x2x128xi32, #tpu.memory_space<hbm>> -> memref<1x2x128xi32, #tpu.memory_space<hbm>>
        %dma_wait3A_212 = tpu.memref_squeeze %dma_wait3A_211 : memref<1x2x128xi32, #tpu.memory_space<hbm>> -> memref<2x128xi32, #tpu.memory_space<hbm>>
        %dma_wait3A_213 = tpu.memref_slice %arg7[%rem3A_160] : memref<3x!tpu.dma_semaphore, #tpu.memory_space<semaphore_mem>> -> memref<1x!tpu.dma_semaphore, #tpu.memory_space<semaphore_mem>>
        %dma_wait3A_214 = tpu.memref_squeeze %dma_wait3A_213 : memref<1x!tpu.dma_semaphore, #tpu.memory_space<semaphore_mem>> -> memref<!tpu.dma_semaphore, #tpu.memory_space<semaphore_mem>>
        %dma_wait3A_215 = arith.constant 0 : i32
        %dma_wait3A_216 = arith.constant 0 : i32
        %dma_wait3A_217 = tpu.memref_slice %arg6[%rem3A_160, %dma_wait3A_215, %dma_wait3A_216] : memref<3x2x128xi32, #tpu.memory_space<vmem>> -> memref<1x2x128xi32, #tpu.memory_space<vmem>>
        %dma_wait3A_218 = tpu.memref_squeeze %dma_wait3A_217 : memref<1x2x128xi32, #tpu.memory_space<vmem>> -> memref<2x128xi32, #tpu.memory_space<vmem>>
        %dma_wait3A_219 = arith.constant 0 : i32
        %dma_wait3A_220 = arith.constant 0 : i32
        %dma_wait3A_221 = tpu.memref_slice %arg3[%add3A_204, %dma_wait3A_219, %dma_wait3A_220] : memref<2560x2x128xi32, #tpu.memory_space<hbm>> -> memref<1x2x128xi32, #tpu.memory_space<hbm>>
        %dma_wait3A_222 = tpu.memref_squeeze %dma_wait3A_221 : memref<1x2x128xi32, #tpu.memory_space<hbm>> -> memref<2x128xi32, #tpu.memory_space<hbm>>
        tpu.wait_dma2 semaphore(%dma_wait3A_214 : memref<!tpu.dma_semaphore, #tpu.memory_space<semaphore_mem>>) src(%dma_wait3A_222 : memref<2x128xi32, #tpu.memory_space<hbm>>) dst(%dma_wait3A_218 : memref<2x128xi32, #tpu.memory_space<vmem>>)
        %dma_start3A_223 = arith.constant 0 : i32
        %dma_start3A_224 = arith.constant 0 : i32
        %dma_start3A_225 = arith.constant 0 : i32
        %dma_start3A_226 = tpu.memref_slice %arg8[%rem3A_160, %dma_start3A_224, %dma_start3A_225] : memref<3x128x128xf32, #tpu.memory_space<vmem>> -> memref<1x128x128xf32, #tpu.memory_space<vmem>>
        %dma_start3A_227 = tpu.memref_squeeze %dma_start3A_226 : memref<1x128x128xf32, #tpu.memory_space<vmem>> -> memref<128x128xf32, #tpu.memory_space<vmem>>
        %dma_start3A_228 = arith.constant 0 : i32
        %dma_start3A_229 = tpu.memref_slice %arg6[%rem3A_160, %dma_start3A_223, %dma_start3A_228] : memref<3x2x128xi32, #tpu.memory_space<vmem>> -> memref<1x1x128xi32, #tpu.memory_space<vmem>>
        %dma_start3A_230 = tpu.memref_squeeze %dma_start3A_229 : memref<1x1x128xi32, #tpu.memory_space<vmem>> -> memref<128xi32, #tpu.memory_space<vmem>>
        %dma_start3A_231 = arith.constant 0 : i32
        %dma_start3A_232 = arith.constant 0 : i32
        %dma_start3A_233 = tpu.memref_slice %arg2[%dma_start3A_231, %dma_start3A_232] : memref<10112x128xf32, #tpu.memory_space<hbm>> -> memref<10112x128xf32, #tpu.memory_space<hbm>>
        %dma_start3A_234 = tpu.memref_slice %arg9[%rem3A_160] : memref<3x!tpu.dma_semaphore, #tpu.memory_space<semaphore_mem>> -> memref<1x!tpu.dma_semaphore, #tpu.memory_space<semaphore_mem>>
        %dma_start3A_235 = tpu.memref_squeeze %dma_start3A_234 : memref<1x!tpu.dma_semaphore, #tpu.memory_space<semaphore_mem>> -> memref<!tpu.dma_semaphore, #tpu.memory_space<semaphore_mem>>
        tpu.enqueue_indirect_dma source(%dma_start3A_233 : memref<10112x128xf32, #tpu.memory_space<hbm>>) target(%dma_start3A_227 : memref<128x128xf32, #tpu.memory_space<vmem>>) offsets(%dma_start3A_230 : memref<128xi32, #tpu.memory_space<vmem>>) semaphore(%dma_start3A_235 : memref<!tpu.dma_semaphore, #tpu.memory_space<semaphore_mem>>)
      } else {
      }
    }
    %scan3A_126 = arith.constant 80 : i32
    %dma_wait3A_127 = arith.constant 1 : i32
    %dma_wait3A_128 = arith.constant 1 : i32
    %dma_wait3A_129 = arith.constant 1 : i32
    %dma_wait3A_130 = arith.constant 1 : i32
    %dma_wait3A_131 = arith.constant 0 : i32
    %dma_wait3A_132 = arith.constant 0 : i32
    %dma_wait3A_133 = tpu.memref_slice %arg8[%dma_wait3A_127, %dma_wait3A_131, %dma_wait3A_132] : memref<3x128x128xf32, #tpu.memory_space<vmem>> -> memref<1x128x128xf32, #tpu.memory_space<vmem>>
    %dma_wait3A_134 = tpu.memref_squeeze %dma_wait3A_133 : memref<1x128x128xf32, #tpu.memory_space<vmem>> -> memref<128x128xf32, #tpu.memory_space<vmem>>
    %dma_wait3A_135 = arith.constant 0 : i32
    %dma_wait3A_136 = tpu.memref_slice %arg6[%dma_wait3A_128, %dma_wait3A_129, %dma_wait3A_135] : memref<3x2x128xi32, #tpu.memory_space<vmem>> -> memref<1x1x128xi32, #tpu.memory_space<vmem>>
    %dma_wait3A_137 = tpu.memref_squeeze %dma_wait3A_136 : memref<1x1x128xi32, #tpu.memory_space<vmem>> -> memref<128xi32, #tpu.memory_space<vmem>>
    %dma_wait3A_138 = arith.constant 0 : i32
    %dma_wait3A_139 = arith.constant 0 : i32
    %dma_wait3A_140 = tpu.memref_slice %arg11[%dma_wait3A_138, %dma_wait3A_139] : memref<10112x128xf32, #tpu.memory_space<vmem_shared>> -> memref<10112x128xf32, #tpu.memory_space<vmem_shared>>
    %dma_wait3A_141 = tpu.memref_slice %arg10[%dma_wait3A_130] : memref<3x!tpu.dma_semaphore, #tpu.memory_space<semaphore_mem>> -> memref<1x!tpu.dma_semaphore, #tpu.memory_space<semaphore_mem>>
    %dma_wait3A_142 = tpu.memref_squeeze %dma_wait3A_141 : memref<1x!tpu.dma_semaphore, #tpu.memory_space<semaphore_mem>> -> memref<!tpu.dma_semaphore, #tpu.memory_space<semaphore_mem>>
    tpu.wait_indirect_dma semaphore(%dma_wait3A_142 : memref<!tpu.dma_semaphore, #tpu.memory_space<semaphore_mem>>) src(%dma_wait3A_134 : memref<128x128xf32, #tpu.memory_space<vmem>>) dst(%dma_wait3A_140 : memref<10112x128xf32, #tpu.memory_space<vmem_shared>>)
    %barrier3A_143 = arith.constant 0 : index
    tpu.barrier barrier_id(%barrier3A_143)
    %mul3A_144 = arith.constant 10112 : i32
    %mul3A_145 = arith.muli %arg0, %mul3A_144 : i32
    %mul3A_146 = arith.constant 632 : i32
    %mul3A_147 = arith.muli %arg1, %mul3A_146 : i32
    %add3A_148 = arith.addi %mul3A_145, %mul3A_147 : i32
    %mul3A_149 = arith.constant 632 : i32
    %mul3A_150 = arith.muli %arg1, %mul3A_149 : i32
    "tpu.region"() ({
      %run_scoped3A = tpu.sem_alloc : memref<!tpu.dma_semaphore, #tpu.memory_space<semaphore_mem>>
      %dma_start3A_151 = arith.constant 0 : i32
      %dma_start3A_152 = tpu.memref_slice %arg5[%add3A_148, %dma_start3A_151] : memref<20224x128xf32, #tpu.memory_space<hbm>> -> memref<632x128xf32, #tpu.memory_space<hbm>>
      %dma_start3A_153 = arith.constant 0 : i32
      %dma_start3A_154 = tpu.memref_slice %arg11[%mul3A_150, %dma_start3A_153] : memref<10112x128xf32, #tpu.memory_space<vmem_shared>> -> memref<632x128xf32, #tpu.memory_space<vmem_shared>>
      tpu.enqueue_dma source(%dma_start3A_154 : memref<632x128xf32, #tpu.memory_space<vmem_shared>>) target(%dma_start3A_152 : memref<632x128xf32, #tpu.memory_space<hbm>>) target_semaphore(%run_scoped3A : memref<!tpu.dma_semaphore, #tpu.memory_space<semaphore_mem>>)
      %dma_wait3A_155 = arith.constant 0 : i32
      %dma_wait3A_156 = tpu.memref_slice %arg5[%add3A_148, %dma_wait3A_155] : memref<20224x128xf32, #tpu.memory_space<hbm>> -> memref<632x128xf32, #tpu.memory_space<hbm>>
      %dma_wait3A_157 = arith.constant 0 : i32
      %dma_wait3A_158 = tpu.memref_slice %arg11[%mul3A_150, %dma_wait3A_157] : memref<10112x128xf32, #tpu.memory_space<vmem_shared>> -> memref<632x128xf32, #tpu.memory_space<vmem_shared>>
      tpu.wait_dma2 semaphore(%run_scoped3A : memref<!tpu.dma_semaphore, #tpu.memory_space<semaphore_mem>>) src(%dma_wait3A_158 : memref<632x128xf32, #tpu.memory_space<vmem_shared>>) dst(%dma_wait3A_156 : memref<632x128xf32, #tpu.memory_space<hbm>>)
      tpu.yield
    }) : () -> ()
    return
  }
}

#map = affine_map<(d0, d1) -> (0, 0, 0)>
#map1 = affine_map<(d0, d1) -> (0)>
module attributes {stable_mosaic.version = 14 : i64} {
  func.func @body(%arg0: i32, %arg1: i32, %arg2: memref<2560x2x128xi32, #tpu.memory_space<hbm>>, %arg3: memref<640xf32, #tpu.memory_space<hbm>>, %arg4: memref<128xf32, #tpu.memory_space<hbm>>, %arg5: memref<20480xf32, #tpu.memory_space<hbm>>, %arg6: memref<8x2x128xi32, #tpu.memory_space<vmem>>, %arg7: memref<8x!tpu.dma_semaphore, #tpu.memory_space<semaphore_mem>>, %arg8: memref<4x!tpu.dma_semaphore, #tpu.memory_space<semaphore_mem>>, %arg9: memref<128xf32, #tpu.memory_space<vmem>>, %arg10: memref<10240xf32, #tpu.memory_space<vmem_shared>>) attributes {dimension_semantics = [#tpu.dimension_semantics<core_parallel>, #tpu.dimension_semantics<subcore_parallel>], iteration_bounds = array<i64: 2, 16>, scalar_prefetch = 0 : i64, scratch_operands = 5 : i64, tpu.core_type = #tpu.core_type<sc_vector_subcore>, window_params = [{transform_indices = #map}, {transform_indices = #map1}, {transform_indices = #map1}, {transform_indices = #map1}]} {
    %mul3A = arith.constant 16 : i32
    %mul3A_0 = arith.muli %arg0, %mul3A : i32
    %add3A = arith.addi %mul3A_0, %arg1 : i32
    %mul3A_1 = arith.constant 80 : i32
    %mul3A_2 = arith.muli %add3A, %mul3A_1 : i32
    %mul3A_3 = arith.constant 640 : i32
    %mul3A_4 = arith.muli %arg1, %mul3A_3 : i32
    "tpu.region"() ({
      %run_scoped3A = tpu.sem_alloc : memref<!tpu.dma_semaphore, #tpu.memory_space<semaphore_mem>>
      %dma_start3A_143 = tpu.memref_slice %arg10[%mul3A_4] : memref<10240xf32, #tpu.memory_space<vmem_shared>> -> memref<640xf32, #tpu.memory_space<vmem_shared>>
      tpu.enqueue_dma source(%arg3 : memref<640xf32, #tpu.memory_space<hbm>>) target(%dma_start3A_143 : memref<640xf32, #tpu.memory_space<vmem_shared>>) target_semaphore(%run_scoped3A : memref<!tpu.dma_semaphore, #tpu.memory_space<semaphore_mem>>)
      %dma_wait3A_144 = tpu.memref_slice %arg10[%mul3A_4] : memref<10240xf32, #tpu.memory_space<vmem_shared>> -> memref<640xf32, #tpu.memory_space<vmem_shared>>
      tpu.wait_dma2 semaphore(%run_scoped3A : memref<!tpu.dma_semaphore, #tpu.memory_space<semaphore_mem>>) src(%arg3 : memref<640xf32, #tpu.memory_space<hbm>>) dst(%dma_wait3A_144 : memref<640xf32, #tpu.memory_space<vmem_shared>>)
      tpu.yield
    }) : () -> ()
    "tpu.region"() ({
      %run_scoped3A = tpu.sem_alloc : memref<!tpu.dma_semaphore, #tpu.memory_space<semaphore_mem>>
      tpu.enqueue_dma source(%arg4 : memref<128xf32, #tpu.memory_space<hbm>>) target(%arg9 : memref<128xf32, #tpu.memory_space<vmem>>) target_semaphore(%run_scoped3A : memref<!tpu.dma_semaphore, #tpu.memory_space<semaphore_mem>>)
      tpu.wait_dma2 semaphore(%run_scoped3A : memref<!tpu.dma_semaphore, #tpu.memory_space<semaphore_mem>>) src(%arg4 : memref<128xf32, #tpu.memory_space<hbm>>) dst(%arg9 : memref<128xf32, #tpu.memory_space<vmem>>)
      tpu.yield
    }) : () -> ()
    %barrier3A = arith.constant 0 : index
    tpu.barrier barrier_id(%barrier3A)
    %add3A_5 = arith.constant 0 : i32
    %add3A_6 = arith.addi %mul3A_2, %add3A_5 : i32
    %dma_start3A = arith.constant 0 : i32
    %dma_start3A_7 = arith.constant 0 : i32
    %dma_start3A_8 = arith.constant 0 : i32
    %dma_start3A_9 = arith.constant 0 : i32
    %dma_start3A_10 = tpu.memref_slice %arg6[%dma_start3A, %dma_start3A_8, %dma_start3A_9] : memref<8x2x128xi32, #tpu.memory_space<vmem>> -> memref<1x2x128xi32, #tpu.memory_space<vmem>>
    %dma_start3A_11 = tpu.memref_squeeze %dma_start3A_10 : memref<1x2x128xi32, #tpu.memory_space<vmem>> -> memref<2x128xi32, #tpu.memory_space<vmem>>
    %dma_start3A_12 = arith.constant 0 : i32
    %dma_start3A_13 = arith.constant 0 : i32
    %dma_start3A_14 = tpu.memref_slice %arg2[%add3A_6, %dma_start3A_12, %dma_start3A_13] : memref<2560x2x128xi32, #tpu.memory_space<hbm>> -> memref<1x2x128xi32, #tpu.memory_space<hbm>>
    %dma_start3A_15 = tpu.memref_squeeze %dma_start3A_14 : memref<1x2x128xi32, #tpu.memory_space<hbm>> -> memref<2x128xi32, #tpu.memory_space<hbm>>
    %dma_start3A_16 = tpu.memref_slice %arg7[%dma_start3A_7] : memref<8x!tpu.dma_semaphore, #tpu.memory_space<semaphore_mem>> -> memref<1x!tpu.dma_semaphore, #tpu.memory_space<semaphore_mem>>
    %dma_start3A_17 = tpu.memref_squeeze %dma_start3A_16 : memref<1x!tpu.dma_semaphore, #tpu.memory_space<semaphore_mem>> -> memref<!tpu.dma_semaphore, #tpu.memory_space<semaphore_mem>>
    %dma_start3A_18 = arith.constant 0 : i32
    %dma_start3A_19 = arith.constant 0 : i32
    %dma_start3A_20 = tpu.memref_slice %arg6[%dma_start3A, %dma_start3A_18, %dma_start3A_19] : memref<8x2x128xi32, #tpu.memory_space<vmem>> -> memref<1x2x128xi32, #tpu.memory_space<vmem>>
    %dma_start3A_21 = tpu.memref_squeeze %dma_start3A_20 : memref<1x2x128xi32, #tpu.memory_space<vmem>> -> memref<2x128xi32, #tpu.memory_space<vmem>>
    %dma_start3A_22 = arith.constant 0 : i32
    %dma_start3A_23 = arith.constant 0 : i32
    %dma_start3A_24 = tpu.memref_slice %arg2[%add3A_6, %dma_start3A_22, %dma_start3A_23] : memref<2560x2x128xi32, #tpu.memory_space<hbm>> -> memref<1x2x128xi32, #tpu.memory_space<hbm>>
    %dma_start3A_25 = tpu.memref_squeeze %dma_start3A_24 : memref<1x2x128xi32, #tpu.memory_space<hbm>> -> memref<2x128xi32, #tpu.memory_space<hbm>>
    tpu.enqueue_dma source(%dma_start3A_25 : memref<2x128xi32, #tpu.memory_space<hbm>>) target(%dma_start3A_21 : memref<2x128xi32, #tpu.memory_space<vmem>>) target_semaphore(%dma_start3A_17 : memref<!tpu.dma_semaphore, #tpu.memory_space<semaphore_mem>>)
    %add3A_26 = arith.constant 1 : i32
    %add3A_27 = arith.addi %mul3A_2, %add3A_26 : i32
    %dma_start3A_28 = arith.constant 1 : i32
    %dma_start3A_29 = arith.constant 1 : i32
    %dma_start3A_30 = arith.constant 0 : i32
    %dma_start3A_31 = arith.constant 0 : i32
    %dma_start3A_32 = tpu.memref_slice %arg6[%dma_start3A_28, %dma_start3A_30, %dma_start3A_31] : memref<8x2x128xi32, #tpu.memory_space<vmem>> -> memref<1x2x128xi32, #tpu.memory_space<vmem>>
    %dma_start3A_33 = tpu.memref_squeeze %dma_start3A_32 : memref<1x2x128xi32, #tpu.memory_space<vmem>> -> memref<2x128xi32, #tpu.memory_space<vmem>>
    %dma_start3A_34 = arith.constant 0 : i32
    %dma_start3A_35 = arith.constant 0 : i32
    %dma_start3A_36 = tpu.memref_slice %arg2[%add3A_27, %dma_start3A_34, %dma_start3A_35] : memref<2560x2x128xi32, #tpu.memory_space<hbm>> -> memref<1x2x128xi32, #tpu.memory_space<hbm>>
    %dma_start3A_37 = tpu.memref_squeeze %dma_start3A_36 : memref<1x2x128xi32, #tpu.memory_space<hbm>> -> memref<2x128xi32, #tpu.memory_space<hbm>>
    %dma_start3A_38 = tpu.memref_slice %arg7[%dma_start3A_29] : memref<8x!tpu.dma_semaphore, #tpu.memory_space<semaphore_mem>> -> memref<1x!tpu.dma_semaphore, #tpu.memory_space<semaphore_mem>>
    %dma_start3A_39 = tpu.memref_squeeze %dma_start3A_38 : memref<1x!tpu.dma_semaphore, #tpu.memory_space<semaphore_mem>> -> memref<!tpu.dma_semaphore, #tpu.memory_space<semaphore_mem>>
    %dma_start3A_40 = arith.constant 0 : i32
    %dma_start3A_41 = arith.constant 0 : i32
    %dma_start3A_42 = tpu.memref_slice %arg6[%dma_start3A_28, %dma_start3A_40, %dma_start3A_41] : memref<8x2x128xi32, #tpu.memory_space<vmem>> -> memref<1x2x128xi32, #tpu.memory_space<vmem>>
    %dma_start3A_43 = tpu.memref_squeeze %dma_start3A_42 : memref<1x2x128xi32, #tpu.memory_space<vmem>> -> memref<2x128xi32, #tpu.memory_space<vmem>>
    %dma_start3A_44 = arith.constant 0 : i32
    %dma_start3A_45 = arith.constant 0 : i32
    %dma_start3A_46 = tpu.memref_slice %arg2[%add3A_27, %dma_start3A_44, %dma_start3A_45] : memref<2560x2x128xi32, #tpu.memory_space<hbm>> -> memref<1x2x128xi32, #tpu.memory_space<hbm>>
    %dma_start3A_47 = tpu.memref_squeeze %dma_start3A_46 : memref<1x2x128xi32, #tpu.memory_space<hbm>> -> memref<2x128xi32, #tpu.memory_space<hbm>>
    tpu.enqueue_dma source(%dma_start3A_47 : memref<2x128xi32, #tpu.memory_space<hbm>>) target(%dma_start3A_43 : memref<2x128xi32, #tpu.memory_space<vmem>>) target_semaphore(%dma_start3A_39 : memref<!tpu.dma_semaphore, #tpu.memory_space<semaphore_mem>>)
    %add3A_48 = arith.constant 2 : i32
    %add3A_49 = arith.addi %mul3A_2, %add3A_48 : i32
    %dma_start3A_50 = arith.constant 2 : i32
    %dma_start3A_51 = arith.constant 2 : i32
    %dma_start3A_52 = arith.constant 0 : i32
    %dma_start3A_53 = arith.constant 0 : i32
    %dma_start3A_54 = tpu.memref_slice %arg6[%dma_start3A_50, %dma_start3A_52, %dma_start3A_53] : memref<8x2x128xi32, #tpu.memory_space<vmem>> -> memref<1x2x128xi32, #tpu.memory_space<vmem>>
    %dma_start3A_55 = tpu.memref_squeeze %dma_start3A_54 : memref<1x2x128xi32, #tpu.memory_space<vmem>> -> memref<2x128xi32, #tpu.memory_space<vmem>>
    %dma_start3A_56 = arith.constant 0 : i32
    %dma_start3A_57 = arith.constant 0 : i32
    %dma_start3A_58 = tpu.memref_slice %arg2[%add3A_49, %dma_start3A_56, %dma_start3A_57] : memref<2560x2x128xi32, #tpu.memory_space<hbm>> -> memref<1x2x128xi32, #tpu.memory_space<hbm>>
    %dma_start3A_59 = tpu.memref_squeeze %dma_start3A_58 : memref<1x2x128xi32, #tpu.memory_space<hbm>> -> memref<2x128xi32, #tpu.memory_space<hbm>>
    %dma_start3A_60 = tpu.memref_slice %arg7[%dma_start3A_51] : memref<8x!tpu.dma_semaphore, #tpu.memory_space<semaphore_mem>> -> memref<1x!tpu.dma_semaphore, #tpu.memory_space<semaphore_mem>>
    %dma_start3A_61 = tpu.memref_squeeze %dma_start3A_60 : memref<1x!tpu.dma_semaphore, #tpu.memory_space<semaphore_mem>> -> memref<!tpu.dma_semaphore, #tpu.memory_space<semaphore_mem>>
    %dma_start3A_62 = arith.constant 0 : i32
    %dma_start3A_63 = arith.constant 0 : i32
    %dma_start3A_64 = tpu.memref_slice %arg6[%dma_start3A_50, %dma_start3A_62, %dma_start3A_63] : memref<8x2x128xi32, #tpu.memory_space<vmem>> -> memref<1x2x128xi32, #tpu.memory_space<vmem>>
    %dma_start3A_65 = tpu.memref_squeeze %dma_start3A_64 : memref<1x2x128xi32, #tpu.memory_space<vmem>> -> memref<2x128xi32, #tpu.memory_space<vmem>>
    %dma_start3A_66 = arith.constant 0 : i32
    %dma_start3A_67 = arith.constant 0 : i32
    %dma_start3A_68 = tpu.memref_slice %arg2[%add3A_49, %dma_start3A_66, %dma_start3A_67] : memref<2560x2x128xi32, #tpu.memory_space<hbm>> -> memref<1x2x128xi32, #tpu.memory_space<hbm>>
    %dma_start3A_69 = tpu.memref_squeeze %dma_start3A_68 : memref<1x2x128xi32, #tpu.memory_space<hbm>> -> memref<2x128xi32, #tpu.memory_space<hbm>>
    tpu.enqueue_dma source(%dma_start3A_69 : memref<2x128xi32, #tpu.memory_space<hbm>>) target(%dma_start3A_65 : memref<2x128xi32, #tpu.memory_space<vmem>>) target_semaphore(%dma_start3A_61 : memref<!tpu.dma_semaphore, #tpu.memory_space<semaphore_mem>>)
    %add3A_70 = arith.constant 3 : i32
    %add3A_71 = arith.addi %mul3A_2, %add3A_70 : i32
    %dma_start3A_72 = arith.constant 3 : i32
    %dma_start3A_73 = arith.constant 3 : i32
    %dma_start3A_74 = arith.constant 0 : i32
    %dma_start3A_75 = arith.constant 0 : i32
    %dma_start3A_76 = tpu.memref_slice %arg6[%dma_start3A_72, %dma_start3A_74, %dma_start3A_75] : memref<8x2x128xi32, #tpu.memory_space<vmem>> -> memref<1x2x128xi32, #tpu.memory_space<vmem>>
    %dma_start3A_77 = tpu.memref_squeeze %dma_start3A_76 : memref<1x2x128xi32, #tpu.memory_space<vmem>> -> memref<2x128xi32, #tpu.memory_space<vmem>>
    %dma_start3A_78 = arith.constant 0 : i32
    %dma_start3A_79 = arith.constant 0 : i32
    %dma_start3A_80 = tpu.memref_slice %arg2[%add3A_71, %dma_start3A_78, %dma_start3A_79] : memref<2560x2x128xi32, #tpu.memory_space<hbm>> -> memref<1x2x128xi32, #tpu.memory_space<hbm>>
    %dma_start3A_81 = tpu.memref_squeeze %dma_start3A_80 : memref<1x2x128xi32, #tpu.memory_space<hbm>> -> memref<2x128xi32, #tpu.memory_space<hbm>>
    %dma_start3A_82 = tpu.memref_slice %arg7[%dma_start3A_73] : memref<8x!tpu.dma_semaphore, #tpu.memory_space<semaphore_mem>> -> memref<1x!tpu.dma_semaphore, #tpu.memory_space<semaphore_mem>>
    %dma_start3A_83 = tpu.memref_squeeze %dma_start3A_82 : memref<1x!tpu.dma_semaphore, #tpu.memory_space<semaphore_mem>> -> memref<!tpu.dma_semaphore, #tpu.memory_space<semaphore_mem>>
    %dma_start3A_84 = arith.constant 0 : i32
    %dma_start3A_85 = arith.constant 0 : i32
    %dma_start3A_86 = tpu.memref_slice %arg6[%dma_start3A_72, %dma_start3A_84, %dma_start3A_85] : memref<8x2x128xi32, #tpu.memory_space<vmem>> -> memref<1x2x128xi32, #tpu.memory_space<vmem>>
    %dma_start3A_87 = tpu.memref_squeeze %dma_start3A_86 : memref<1x2x128xi32, #tpu.memory_space<vmem>> -> memref<2x128xi32, #tpu.memory_space<vmem>>
    %dma_start3A_88 = arith.constant 0 : i32
    %dma_start3A_89 = arith.constant 0 : i32
    %dma_start3A_90 = tpu.memref_slice %arg2[%add3A_71, %dma_start3A_88, %dma_start3A_89] : memref<2560x2x128xi32, #tpu.memory_space<hbm>> -> memref<1x2x128xi32, #tpu.memory_space<hbm>>
    %dma_start3A_91 = tpu.memref_squeeze %dma_start3A_90 : memref<1x2x128xi32, #tpu.memory_space<hbm>> -> memref<2x128xi32, #tpu.memory_space<hbm>>
    tpu.enqueue_dma source(%dma_start3A_91 : memref<2x128xi32, #tpu.memory_space<hbm>>) target(%dma_start3A_87 : memref<2x128xi32, #tpu.memory_space<vmem>>) target_semaphore(%dma_start3A_83 : memref<!tpu.dma_semaphore, #tpu.memory_space<semaphore_mem>>)
    %scan3A = arith.constant 0 : i32
    %scan3A_92 = arith.constant 80 : i32
    %scan3A_93 = arith.addi %scan3A, %scan3A_92 : i32
    %scan3A_94 = arith.constant 1 : i32
    scf.for %scan3A_143 = %scan3A to %scan3A_93 step %scan3A_94  : i32 {
      %mul3A_144 = arith.constant 1 : i32
      %mul3A_145 = arith.muli %scan3A_143, %mul3A_144 : i32
      %add3A_146 = arith.constant 0 : i32
      %add3A_147 = arith.addi %add3A_146, %mul3A_145 : i32
      %rem3A = arith.constant 4 : i32
      %rem3A_148 = arith.remsi %add3A_147, %rem3A : i32
      %rem3A_149 = arith.constant 8 : i32
      %rem3A_150 = arith.remsi %add3A_147, %rem3A_149 : i32
      %ge3A = arith.constant 4 : i32
      %ge3A_151 = arith.cmpi sge, %add3A_147, %ge3A : i32
      %convert_element_type3A = arith.extui %ge3A_151 : i1 to i32
      %cond3A = arith.constant 0 : i32
      %cond3A_152 = arith.cmpi ne, %convert_element_type3A, %cond3A : i32
      scf.if %cond3A_152 {
        %dma_wait3A_186 = arith.constant 1 : i32
        %dma_wait3A_187 = arith.constant 0 : i32
        %dma_wait3A_188 = tpu.memref_slice %arg6[%rem3A_150, %dma_wait3A_186, %dma_wait3A_187] : memref<8x2x128xi32, #tpu.memory_space<vmem>> -> memref<1x1x128xi32, #tpu.memory_space<vmem>>
        %dma_wait3A_189 = tpu.memref_squeeze %dma_wait3A_188 : memref<1x1x128xi32, #tpu.memory_space<vmem>> -> memref<128xi32, #tpu.memory_space<vmem>>
        %dma_wait3A_190 = arith.constant 0 : i32
        %dma_wait3A_191 = tpu.memref_slice %arg10[%dma_wait3A_190] : memref<10240xf32, #tpu.memory_space<vmem_shared>> -> memref<10240xf32, #tpu.memory_space<vmem_shared>>
        %dma_wait3A_192 = tpu.memref_slice %arg8[%rem3A_148] : memref<4x!tpu.dma_semaphore, #tpu.memory_space<semaphore_mem>> -> memref<1x!tpu.dma_semaphore, #tpu.memory_space<semaphore_mem>>
        %dma_wait3A_193 = tpu.memref_squeeze %dma_wait3A_192 : memref<1x!tpu.dma_semaphore, #tpu.memory_space<semaphore_mem>> -> memref<!tpu.dma_semaphore, #tpu.memory_space<semaphore_mem>>
        tpu.wait_indirect_dma semaphore(%dma_wait3A_193 : memref<!tpu.dma_semaphore, #tpu.memory_space<semaphore_mem>>) src(%arg9 : memref<128xf32, #tpu.memory_space<vmem>>) dst(%dma_wait3A_191 : memref<10240xf32, #tpu.memory_space<vmem_shared>>)
      } else {
      }
      %add3A_153 = arith.constant 4 : i32
      %add3A_154 = arith.addi %add3A_147, %add3A_153 : i32
      %lt3A = arith.constant 80 : i32
      %lt3A_155 = arith.cmpi slt, %add3A_154, %lt3A : i32
      %convert_element_type3A_156 = arith.extui %lt3A_155 : i1 to i32
      %cond3A_157 = arith.constant 0 : i32
      %cond3A_158 = arith.cmpi ne, %convert_element_type3A_156, %cond3A_157 : i32
      scf.if %cond3A_158 {
        %add3A_186 = arith.constant 4 : i32
        %add3A_187 = arith.addi %add3A_147, %add3A_186 : i32
        %rem3A_188 = arith.constant 8 : i32
        %rem3A_189 = arith.remsi %add3A_187, %rem3A_188 : i32
        %add3A_190 = arith.addi %mul3A_2, %add3A_147 : i32
        %add3A_191 = arith.constant 4 : i32
        %add3A_192 = arith.addi %add3A_190, %add3A_191 : i32
        %dma_start3A_193 = arith.constant 0 : i32
        %dma_start3A_194 = arith.constant 0 : i32
        %dma_start3A_195 = tpu.memref_slice %arg6[%rem3A_189, %dma_start3A_193, %dma_start3A_194] : memref<8x2x128xi32, #tpu.memory_space<vmem>> -> memref<1x2x128xi32, #tpu.memory_space<vmem>>
        %dma_start3A_196 = tpu.memref_squeeze %dma_start3A_195 : memref<1x2x128xi32, #tpu.memory_space<vmem>> -> memref<2x128xi32, #tpu.memory_space<vmem>>
        %dma_start3A_197 = arith.constant 0 : i32
        %dma_start3A_198 = arith.constant 0 : i32
        %dma_start3A_199 = tpu.memref_slice %arg2[%add3A_192, %dma_start3A_197, %dma_start3A_198] : memref<2560x2x128xi32, #tpu.memory_space<hbm>> -> memref<1x2x128xi32, #tpu.memory_space<hbm>>
        %dma_start3A_200 = tpu.memref_squeeze %dma_start3A_199 : memref<1x2x128xi32, #tpu.memory_space<hbm>> -> memref<2x128xi32, #tpu.memory_space<hbm>>
        %dma_start3A_201 = tpu.memref_slice %arg7[%rem3A_189] : memref<8x!tpu.dma_semaphore, #tpu.memory_space<semaphore_mem>> -> memref<1x!tpu.dma_semaphore, #tpu.memory_space<semaphore_mem>>
        %dma_start3A_202 = tpu.memref_squeeze %dma_start3A_201 : memref<1x!tpu.dma_semaphore, #tpu.memory_space<semaphore_mem>> -> memref<!tpu.dma_semaphore, #tpu.memory_space<semaphore_mem>>
        %dma_start3A_203 = arith.constant 0 : i32
        %dma_start3A_204 = arith.constant 0 : i32
        %dma_start3A_205 = tpu.memref_slice %arg6[%rem3A_189, %dma_start3A_203, %dma_start3A_204] : memref<8x2x128xi32, #tpu.memory_space<vmem>> -> memref<1x2x128xi32, #tpu.memory_space<vmem>>
        %dma_start3A_206 = tpu.memref_squeeze %dma_start3A_205 : memref<1x2x128xi32, #tpu.memory_space<vmem>> -> memref<2x128xi32, #tpu.memory_space<vmem>>
        %dma_start3A_207 = arith.constant 0 : i32
        %dma_start3A_208 = arith.constant 0 : i32
        %dma_start3A_209 = tpu.memref_slice %arg2[%add3A_192, %dma_start3A_207, %dma_start3A_208] : memref<2560x2x128xi32, #tpu.memory_space<hbm>> -> memref<1x2x128xi32, #tpu.memory_space<hbm>>
        %dma_start3A_210 = tpu.memref_squeeze %dma_start3A_209 : memref<1x2x128xi32, #tpu.memory_space<hbm>> -> memref<2x128xi32, #tpu.memory_space<hbm>>
        tpu.enqueue_dma source(%dma_start3A_210 : memref<2x128xi32, #tpu.memory_space<hbm>>) target(%dma_start3A_206 : memref<2x128xi32, #tpu.memory_space<vmem>>) target_semaphore(%dma_start3A_202 : memref<!tpu.dma_semaphore, #tpu.memory_space<semaphore_mem>>)
      } else {
      }
      %add3A_159 = arith.addi %mul3A_2, %add3A_147 : i32
      %dma_wait3A_160 = arith.constant 0 : i32
      %dma_wait3A_161 = arith.constant 0 : i32
      %dma_wait3A_162 = tpu.memref_slice %arg6[%rem3A_150, %dma_wait3A_160, %dma_wait3A_161] : memref<8x2x128xi32, #tpu.memory_space<vmem>> -> memref<1x2x128xi32, #tpu.memory_space<vmem>>
      %dma_wait3A_163 = tpu.memref_squeeze %dma_wait3A_162 : memref<1x2x128xi32, #tpu.memory_space<vmem>> -> memref<2x128xi32, #tpu.memory_space<vmem>>
      %dma_wait3A_164 = arith.constant 0 : i32
      %dma_wait3A_165 = arith.constant 0 : i32
      %dma_wait3A_166 = tpu.memref_slice %arg2[%add3A_159, %dma_wait3A_164, %dma_wait3A_165] : memref<2560x2x128xi32, #tpu.memory_space<hbm>> -> memref<1x2x128xi32, #tpu.memory_space<hbm>>
      %dma_wait3A_167 = tpu.memref_squeeze %dma_wait3A_166 : memref<1x2x128xi32, #tpu.memory_space<hbm>> -> memref<2x128xi32, #tpu.memory_space<hbm>>
      %dma_wait3A_168 = tpu.memref_slice %arg7[%rem3A_150] : memref<8x!tpu.dma_semaphore, #tpu.memory_space<semaphore_mem>> -> memref<1x!tpu.dma_semaphore, #tpu.memory_space<semaphore_mem>>
      %dma_wait3A_169 = tpu.memref_squeeze %dma_wait3A_168 : memref<1x!tpu.dma_semaphore, #tpu.memory_space<semaphore_mem>> -> memref<!tpu.dma_semaphore, #tpu.memory_space<semaphore_mem>>
      %dma_wait3A_170 = arith.constant 0 : i32
      %dma_wait3A_171 = arith.constant 0 : i32
      %dma_wait3A_172 = tpu.memref_slice %arg6[%rem3A_150, %dma_wait3A_170, %dma_wait3A_171] : memref<8x2x128xi32, #tpu.memory_space<vmem>> -> memref<1x2x128xi32, #tpu.memory_space<vmem>>
      %dma_wait3A_173 = tpu.memref_squeeze %dma_wait3A_172 : memref<1x2x128xi32, #tpu.memory_space<vmem>> -> memref<2x128xi32, #tpu.memory_space<vmem>>
      %dma_wait3A_174 = arith.constant 0 : i32
      %dma_wait3A_175 = arith.constant 0 : i32
      %dma_wait3A_176 = tpu.memref_slice %arg2[%add3A_159, %dma_wait3A_174, %dma_wait3A_175] : memref<2560x2x128xi32, #tpu.memory_space<hbm>> -> memref<1x2x128xi32, #tpu.memory_space<hbm>>
      %dma_wait3A_177 = tpu.memref_squeeze %dma_wait3A_176 : memref<1x2x128xi32, #tpu.memory_space<hbm>> -> memref<2x128xi32, #tpu.memory_space<hbm>>
      tpu.wait_dma2 semaphore(%dma_wait3A_169 : memref<!tpu.dma_semaphore, #tpu.memory_space<semaphore_mem>>) src(%dma_wait3A_177 : memref<2x128xi32, #tpu.memory_space<hbm>>) dst(%dma_wait3A_173 : memref<2x128xi32, #tpu.memory_space<vmem>>)
      %dma_start3A_178 = arith.constant 1 : i32
      %dma_start3A_179 = arith.constant 0 : i32
      %dma_start3A_180 = tpu.memref_slice %arg6[%rem3A_150, %dma_start3A_178, %dma_start3A_179] : memref<8x2x128xi32, #tpu.memory_space<vmem>> -> memref<1x1x128xi32, #tpu.memory_space<vmem>>
      %dma_start3A_181 = tpu.memref_squeeze %dma_start3A_180 : memref<1x1x128xi32, #tpu.memory_space<vmem>> -> memref<128xi32, #tpu.memory_space<vmem>>
      %dma_start3A_182 = arith.constant 0 : i32
      %dma_start3A_183 = tpu.memref_slice %arg10[%dma_start3A_182] : memref<10240xf32, #tpu.memory_space<vmem_shared>> -> memref<10240xf32, #tpu.memory_space<vmem_shared>>
      %dma_start3A_184 = tpu.memref_slice %arg8[%rem3A_148] : memref<4x!tpu.dma_semaphore, #tpu.memory_space<semaphore_mem>> -> memref<1x!tpu.dma_semaphore, #tpu.memory_space<semaphore_mem>>
      %dma_start3A_185 = tpu.memref_squeeze %dma_start3A_184 : memref<1x!tpu.dma_semaphore, #tpu.memory_space<semaphore_mem>> -> memref<!tpu.dma_semaphore, #tpu.memory_space<semaphore_mem>>
      tpu.enqueue_indirect_dma source(%arg9 : memref<128xf32, #tpu.memory_space<vmem>>) target(%dma_start3A_183 : memref<10240xf32, #tpu.memory_space<vmem_shared>>) offsets(%dma_start3A_181 : memref<128xi32, #tpu.memory_space<vmem>>) semaphore(%dma_start3A_185 : memref<!tpu.dma_semaphore, #tpu.memory_space<semaphore_mem>>) {add = true}
    }
    %scan3A_95 = arith.constant 80 : i32
    %dma_wait3A = arith.constant 0 : i32
    %dma_wait3A_96 = arith.constant 1 : i32
    %dma_wait3A_97 = arith.constant 0 : i32
    %dma_wait3A_98 = arith.constant 0 : i32
    %dma_wait3A_99 = tpu.memref_slice %arg6[%dma_wait3A, %dma_wait3A_96, %dma_wait3A_98] : memref<8x2x128xi32, #tpu.memory_space<vmem>> -> memref<1x1x128xi32, #tpu.memory_space<vmem>>
    %dma_wait3A_100 = tpu.memref_squeeze %dma_wait3A_99 : memref<1x1x128xi32, #tpu.memory_space<vmem>> -> memref<128xi32, #tpu.memory_space<vmem>>
    %dma_wait3A_101 = arith.constant 0 : i32
    %dma_wait3A_102 = tpu.memref_slice %arg10[%dma_wait3A_101] : memref<10240xf32, #tpu.memory_space<vmem_shared>> -> memref<10240xf32, #tpu.memory_space<vmem_shared>>
    %dma_wait3A_103 = tpu.memref_slice %arg8[%dma_wait3A_97] : memref<4x!tpu.dma_semaphore, #tpu.memory_space<semaphore_mem>> -> memref<1x!tpu.dma_semaphore, #tpu.memory_space<semaphore_mem>>
    %dma_wait3A_104 = tpu.memref_squeeze %dma_wait3A_103 : memref<1x!tpu.dma_semaphore, #tpu.memory_space<semaphore_mem>> -> memref<!tpu.dma_semaphore, #tpu.memory_space<semaphore_mem>>
    tpu.wait_indirect_dma semaphore(%dma_wait3A_104 : memref<!tpu.dma_semaphore, #tpu.memory_space<semaphore_mem>>) src(%arg9 : memref<128xf32, #tpu.memory_space<vmem>>) dst(%dma_wait3A_102 : memref<10240xf32, #tpu.memory_space<vmem_shared>>)
    %dma_wait3A_105 = arith.constant 1 : i32
    %dma_wait3A_106 = arith.constant 1 : i32
    %dma_wait3A_107 = arith.constant 1 : i32
    %dma_wait3A_108 = arith.constant 0 : i32
    %dma_wait3A_109 = tpu.memref_slice %arg6[%dma_wait3A_105, %dma_wait3A_106, %dma_wait3A_108] : memref<8x2x128xi32, #tpu.memory_space<vmem>> -> memref<1x1x128xi32, #tpu.memory_space<vmem>>
    %dma_wait3A_110 = tpu.memref_squeeze %dma_wait3A_109 : memref<1x1x128xi32, #tpu.memory_space<vmem>> -> memref<128xi32, #tpu.memory_space<vmem>>
    %dma_wait3A_111 = arith.constant 0 : i32
    %dma_wait3A_112 = tpu.memref_slice %arg10[%dma_wait3A_111] : memref<10240xf32, #tpu.memory_space<vmem_shared>> -> memref<10240xf32, #tpu.memory_space<vmem_shared>>
    %dma_wait3A_113 = tpu.memref_slice %arg8[%dma_wait3A_107] : memref<4x!tpu.dma_semaphore, #tpu.memory_space<semaphore_mem>> -> memref<1x!tpu.dma_semaphore, #tpu.memory_space<semaphore_mem>>
    %dma_wait3A_114 = tpu.memref_squeeze %dma_wait3A_113 : memref<1x!tpu.dma_semaphore, #tpu.memory_space<semaphore_mem>> -> memref<!tpu.dma_semaphore, #tpu.memory_space<semaphore_mem>>
    tpu.wait_indirect_dma semaphore(%dma_wait3A_114 : memref<!tpu.dma_semaphore, #tpu.memory_space<semaphore_mem>>) src(%arg9 : memref<128xf32, #tpu.memory_space<vmem>>) dst(%dma_wait3A_112 : memref<10240xf32, #tpu.memory_space<vmem_shared>>)
    %dma_wait3A_115 = arith.constant 2 : i32
    %dma_wait3A_116 = arith.constant 1 : i32
    %dma_wait3A_117 = arith.constant 2 : i32
    %dma_wait3A_118 = arith.constant 0 : i32
    %dma_wait3A_119 = tpu.memref_slice %arg6[%dma_wait3A_115, %dma_wait3A_116, %dma_wait3A_118] : memref<8x2x128xi32, #tpu.memory_space<vmem>> -> memref<1x1x128xi32, #tpu.memory_space<vmem>>
    %dma_wait3A_120 = tpu.memref_squeeze %dma_wait3A_119 : memref<1x1x128xi32, #tpu.memory_space<vmem>> -> memref<128xi32, #tpu.memory_space<vmem>>
    %dma_wait3A_121 = arith.constant 0 : i32
    %dma_wait3A_122 = tpu.memref_slice %arg10[%dma_wait3A_121] : memref<10240xf32, #tpu.memory_space<vmem_shared>> -> memref<10240xf32, #tpu.memory_space<vmem_shared>>
    %dma_wait3A_123 = tpu.memref_slice %arg8[%dma_wait3A_117] : memref<4x!tpu.dma_semaphore, #tpu.memory_space<semaphore_mem>> -> memref<1x!tpu.dma_semaphore, #tpu.memory_space<semaphore_mem>>
    %dma_wait3A_124 = tpu.memref_squeeze %dma_wait3A_123 : memref<1x!tpu.dma_semaphore, #tpu.memory_space<semaphore_mem>> -> memref<!tpu.dma_semaphore, #tpu.memory_space<semaphore_mem>>
    tpu.wait_indirect_dma semaphore(%dma_wait3A_124 : memref<!tpu.dma_semaphore, #tpu.memory_space<semaphore_mem>>) src(%arg9 : memref<128xf32, #tpu.memory_space<vmem>>) dst(%dma_wait3A_122 : memref<10240xf32, #tpu.memory_space<vmem_shared>>)
    %dma_wait3A_125 = arith.constant 3 : i32
    %dma_wait3A_126 = arith.constant 1 : i32
    %dma_wait3A_127 = arith.constant 3 : i32
    %dma_wait3A_128 = arith.constant 0 : i32
    %dma_wait3A_129 = tpu.memref_slice %arg6[%dma_wait3A_125, %dma_wait3A_126, %dma_wait3A_128] : memref<8x2x128xi32, #tpu.memory_space<vmem>> -> memref<1x1x128xi32, #tpu.memory_space<vmem>>
    %dma_wait3A_130 = tpu.memref_squeeze %dma_wait3A_129 : memref<1x1x128xi32, #tpu.memory_space<vmem>> -> memref<128xi32, #tpu.memory_space<vmem>>
    %dma_wait3A_131 = arith.constant 0 : i32
    %dma_wait3A_132 = tpu.memref_slice %arg10[%dma_wait3A_131] : memref<10240xf32, #tpu.memory_space<vmem_shared>> -> memref<10240xf32, #tpu.memory_space<vmem_shared>>
    %dma_wait3A_133 = tpu.memref_slice %arg8[%dma_wait3A_127] : memref<4x!tpu.dma_semaphore, #tpu.memory_space<semaphore_mem>> -> memref<1x!tpu.dma_semaphore, #tpu.memory_space<semaphore_mem>>
    %dma_wait3A_134 = tpu.memref_squeeze %dma_wait3A_133 : memref<1x!tpu.dma_semaphore, #tpu.memory_space<semaphore_mem>> -> memref<!tpu.dma_semaphore, #tpu.memory_space<semaphore_mem>>
    tpu.wait_indirect_dma semaphore(%dma_wait3A_134 : memref<!tpu.dma_semaphore, #tpu.memory_space<semaphore_mem>>) src(%arg9 : memref<128xf32, #tpu.memory_space<vmem>>) dst(%dma_wait3A_132 : memref<10240xf32, #tpu.memory_space<vmem_shared>>)
    %barrier3A_135 = arith.constant 0 : index
    tpu.barrier barrier_id(%barrier3A_135)
    %mul3A_136 = arith.constant 10240 : i32
    %mul3A_137 = arith.muli %arg0, %mul3A_136 : i32
    %mul3A_138 = arith.constant 640 : i32
    %mul3A_139 = arith.muli %arg1, %mul3A_138 : i32
    %add3A_140 = arith.addi %mul3A_137, %mul3A_139 : i32
    %mul3A_141 = arith.constant 640 : i32
    %mul3A_142 = arith.muli %arg1, %mul3A_141 : i32
    "tpu.region"() ({
      %run_scoped3A = tpu.sem_alloc : memref<!tpu.dma_semaphore, #tpu.memory_space<semaphore_mem>>
      %dma_start3A_143 = tpu.memref_slice %arg5[%add3A_140] : memref<20480xf32, #tpu.memory_space<hbm>> -> memref<640xf32, #tpu.memory_space<hbm>>
      %dma_start3A_144 = tpu.memref_slice %arg10[%mul3A_142] : memref<10240xf32, #tpu.memory_space<vmem_shared>> -> memref<640xf32, #tpu.memory_space<vmem_shared>>
      tpu.enqueue_dma source(%dma_start3A_144 : memref<640xf32, #tpu.memory_space<vmem_shared>>) target(%dma_start3A_143 : memref<640xf32, #tpu.memory_space<hbm>>) target_semaphore(%run_scoped3A : memref<!tpu.dma_semaphore, #tpu.memory_space<semaphore_mem>>)
      %dma_wait3A_145 = tpu.memref_slice %arg5[%add3A_140] : memref<20480xf32, #tpu.memory_space<hbm>> -> memref<640xf32, #tpu.memory_space<hbm>>
      %dma_wait3A_146 = tpu.memref_slice %arg10[%mul3A_142] : memref<10240xf32, #tpu.memory_space<vmem_shared>> -> memref<640xf32, #tpu.memory_space<vmem_shared>>
      tpu.wait_dma2 semaphore(%run_scoped3A : memref<!tpu.dma_semaphore, #tpu.memory_space<semaphore_mem>>) src(%dma_wait3A_146 : memref<640xf32, #tpu.memory_space<vmem_shared>>) dst(%dma_wait3A_145 : memref<640xf32, #tpu.memory_space<hbm>>)
      tpu.yield
    }) : () -> ()
    return
  }
}

#map = affine_map<(d0, d1) -> (0, 0)>
#map1 = affine_map<(d0, d1) -> (0, 0, 0)>
module attributes {stable_mosaic.version = 14 : i64} {
  func.func @body(%arg0: i32, %arg1: i32, %arg2: memref<10112x128xf32, #tpu.memory_space<hbm>>, %arg3: memref<2560x2x128xi32, #tpu.memory_space<hbm>>, %arg4: memref<632x128xf32, #tpu.memory_space<hbm>>, %arg5: memref<20224x128xf32, #tpu.memory_space<hbm>>, %arg6: memref<3x2x128xi32, #tpu.memory_space<vmem>>, %arg7: memref<3x!tpu.dma_semaphore, #tpu.memory_space<semaphore_mem>>, %arg8: memref<3x128x128xf32, #tpu.memory_space<vmem>>, %arg9: memref<3x!tpu.dma_semaphore, #tpu.memory_space<semaphore_mem>>, %arg10: memref<3x!tpu.dma_semaphore, #tpu.memory_space<semaphore_mem>>, %arg11: memref<10112x128xf32, #tpu.memory_space<vmem_shared>>) attributes {dimension_semantics = [#tpu.dimension_semantics<core_parallel>, #tpu.dimension_semantics<subcore_parallel>], iteration_bounds = array<i64: 2, 16>, scalar_prefetch = 0 : i64, scratch_operands = 6 : i64, tpu.core_type = #tpu.core_type<sc_vector_subcore>, window_params = [{transform_indices = #map}, {transform_indices = #map1}, {transform_indices = #map}, {transform_indices = #map}]} {
    %mul3A = arith.constant 16 : i32
    %mul3A_0 = arith.muli %arg0, %mul3A : i32
    %add3A = arith.addi %mul3A_0, %arg1 : i32
    %mul3A_1 = arith.constant 80 : i32
    %mul3A_2 = arith.muli %add3A, %mul3A_1 : i32
    %mul3A_3 = arith.constant 632 : i32
    %mul3A_4 = arith.muli %arg1, %mul3A_3 : i32
    "tpu.region"() ({
      %run_scoped3A = tpu.sem_alloc : memref<!tpu.dma_semaphore, #tpu.memory_space<semaphore_mem>>
      %dma_start3A_151 = arith.constant 0 : i32
      %dma_start3A_152 = tpu.memref_slice %arg11[%mul3A_4, %dma_start3A_151] : memref<10112x128xf32, #tpu.memory_space<vmem_shared>> -> memref<632x128xf32, #tpu.memory_space<vmem_shared>>
      tpu.enqueue_dma source(%arg4 : memref<632x128xf32, #tpu.memory_space<hbm>>) target(%dma_start3A_152 : memref<632x128xf32, #tpu.memory_space<vmem_shared>>) target_semaphore(%run_scoped3A : memref<!tpu.dma_semaphore, #tpu.memory_space<semaphore_mem>>)
      %dma_wait3A_153 = arith.constant 0 : i32
      %dma_wait3A_154 = tpu.memref_slice %arg11[%mul3A_4, %dma_wait3A_153] : memref<10112x128xf32, #tpu.memory_space<vmem_shared>> -> memref<632x128xf32, #tpu.memory_space<vmem_shared>>
      tpu.wait_dma2 semaphore(%run_scoped3A : memref<!tpu.dma_semaphore, #tpu.memory_space<semaphore_mem>>) src(%arg4 : memref<632x128xf32, #tpu.memory_space<hbm>>) dst(%dma_wait3A_154 : memref<632x128xf32, #tpu.memory_space<vmem_shared>>)
      tpu.yield
    }) : () -> ()
    %barrier3A = arith.constant 0 : index
    tpu.barrier barrier_id(%barrier3A)
    %add3A_5 = arith.constant 0 : i32
    %add3A_6 = arith.addi %mul3A_2, %add3A_5 : i32
    %dma_start3A = arith.constant 0 : i32
    %dma_start3A_7 = arith.constant 0 : i32
    %dma_start3A_8 = arith.constant 0 : i32
    %dma_start3A_9 = arith.constant 0 : i32
    %dma_start3A_10 = tpu.memref_slice %arg6[%dma_start3A, %dma_start3A_8, %dma_start3A_9] : memref<3x2x128xi32, #tpu.memory_space<vmem>> -> memref<1x2x128xi32, #tpu.memory_space<vmem>>
    %dma_start3A_11 = tpu.memref_squeeze %dma_start3A_10 : memref<1x2x128xi32, #tpu.memory_space<vmem>> -> memref<2x128xi32, #tpu.memory_space<vmem>>
    %dma_start3A_12 = arith.constant 0 : i32
    %dma_start3A_13 = arith.constant 0 : i32
    %dma_start3A_14 = tpu.memref_slice %arg3[%add3A_6, %dma_start3A_12, %dma_start3A_13] : memref<2560x2x128xi32, #tpu.memory_space<hbm>> -> memref<1x2x128xi32, #tpu.memory_space<hbm>>
    %dma_start3A_15 = tpu.memref_squeeze %dma_start3A_14 : memref<1x2x128xi32, #tpu.memory_space<hbm>> -> memref<2x128xi32, #tpu.memory_space<hbm>>
    %dma_start3A_16 = tpu.memref_slice %arg7[%dma_start3A_7] : memref<3x!tpu.dma_semaphore, #tpu.memory_space<semaphore_mem>> -> memref<1x!tpu.dma_semaphore, #tpu.memory_space<semaphore_mem>>
    %dma_start3A_17 = tpu.memref_squeeze %dma_start3A_16 : memref<1x!tpu.dma_semaphore, #tpu.memory_space<semaphore_mem>> -> memref<!tpu.dma_semaphore, #tpu.memory_space<semaphore_mem>>
    %dma_start3A_18 = arith.constant 0 : i32
    %dma_start3A_19 = arith.constant 0 : i32
    %dma_start3A_20 = tpu.memref_slice %arg6[%dma_start3A, %dma_start3A_18, %dma_start3A_19] : memref<3x2x128xi32, #tpu.memory_space<vmem>> -> memref<1x2x128xi32, #tpu.memory_space<vmem>>
    %dma_start3A_21 = tpu.memref_squeeze %dma_start3A_20 : memref<1x2x128xi32, #tpu.memory_space<vmem>> -> memref<2x128xi32, #tpu.memory_space<vmem>>
    %dma_start3A_22 = arith.constant 0 : i32
    %dma_start3A_23 = arith.constant 0 : i32
    %dma_start3A_24 = tpu.memref_slice %arg3[%add3A_6, %dma_start3A_22, %dma_start3A_23] : memref<2560x2x128xi32, #tpu.memory_space<hbm>> -> memref<1x2x128xi32, #tpu.memory_space<hbm>>
    %dma_start3A_25 = tpu.memref_squeeze %dma_start3A_24 : memref<1x2x128xi32, #tpu.memory_space<hbm>> -> memref<2x128xi32, #tpu.memory_space<hbm>>
    tpu.enqueue_dma source(%dma_start3A_25 : memref<2x128xi32, #tpu.memory_space<hbm>>) target(%dma_start3A_21 : memref<2x128xi32, #tpu.memory_space<vmem>>) target_semaphore(%dma_start3A_17 : memref<!tpu.dma_semaphore, #tpu.memory_space<semaphore_mem>>)
    %add3A_26 = arith.constant 1 : i32
    %add3A_27 = arith.addi %mul3A_2, %add3A_26 : i32
    %dma_start3A_28 = arith.constant 1 : i32
    %dma_start3A_29 = arith.constant 1 : i32
    %dma_start3A_30 = arith.constant 0 : i32
    %dma_start3A_31 = arith.constant 0 : i32
    %dma_start3A_32 = tpu.memref_slice %arg6[%dma_start3A_28, %dma_start3A_30, %dma_start3A_31] : memref<3x2x128xi32, #tpu.memory_space<vmem>> -> memref<1x2x128xi32, #tpu.memory_space<vmem>>
    %dma_start3A_33 = tpu.memref_squeeze %dma_start3A_32 : memref<1x2x128xi32, #tpu.memory_space<vmem>> -> memref<2x128xi32, #tpu.memory_space<vmem>>
    %dma_start3A_34 = arith.constant 0 : i32
    %dma_start3A_35 = arith.constant 0 : i32
    %dma_start3A_36 = tpu.memref_slice %arg3[%add3A_27, %dma_start3A_34, %dma_start3A_35] : memref<2560x2x128xi32, #tpu.memory_space<hbm>> -> memref<1x2x128xi32, #tpu.memory_space<hbm>>
    %dma_start3A_37 = tpu.memref_squeeze %dma_start3A_36 : memref<1x2x128xi32, #tpu.memory_space<hbm>> -> memref<2x128xi32, #tpu.memory_space<hbm>>
    %dma_start3A_38 = tpu.memref_slice %arg7[%dma_start3A_29] : memref<3x!tpu.dma_semaphore, #tpu.memory_space<semaphore_mem>> -> memref<1x!tpu.dma_semaphore, #tpu.memory_space<semaphore_mem>>
    %dma_start3A_39 = tpu.memref_squeeze %dma_start3A_38 : memref<1x!tpu.dma_semaphore, #tpu.memory_space<semaphore_mem>> -> memref<!tpu.dma_semaphore, #tpu.memory_space<semaphore_mem>>
    %dma_start3A_40 = arith.constant 0 : i32
    %dma_start3A_41 = arith.constant 0 : i32
    %dma_start3A_42 = tpu.memref_slice %arg6[%dma_start3A_28, %dma_start3A_40, %dma_start3A_41] : memref<3x2x128xi32, #tpu.memory_space<vmem>> -> memref<1x2x128xi32, #tpu.memory_space<vmem>>
    %dma_start3A_43 = tpu.memref_squeeze %dma_start3A_42 : memref<1x2x128xi32, #tpu.memory_space<vmem>> -> memref<2x128xi32, #tpu.memory_space<vmem>>
    %dma_start3A_44 = arith.constant 0 : i32
    %dma_start3A_45 = arith.constant 0 : i32
    %dma_start3A_46 = tpu.memref_slice %arg3[%add3A_27, %dma_start3A_44, %dma_start3A_45] : memref<2560x2x128xi32, #tpu.memory_space<hbm>> -> memref<1x2x128xi32, #tpu.memory_space<hbm>>
    %dma_start3A_47 = tpu.memref_squeeze %dma_start3A_46 : memref<1x2x128xi32, #tpu.memory_space<hbm>> -> memref<2x128xi32, #tpu.memory_space<hbm>>
    tpu.enqueue_dma source(%dma_start3A_47 : memref<2x128xi32, #tpu.memory_space<hbm>>) target(%dma_start3A_43 : memref<2x128xi32, #tpu.memory_space<vmem>>) target_semaphore(%dma_start3A_39 : memref<!tpu.dma_semaphore, #tpu.memory_space<semaphore_mem>>)
    %add3A_48 = arith.constant 0 : i32
    %add3A_49 = arith.addi %mul3A_2, %add3A_48 : i32
    %dma_wait3A = arith.constant 0 : i32
    %dma_wait3A_50 = arith.constant 0 : i32
    %dma_wait3A_51 = arith.constant 0 : i32
    %dma_wait3A_52 = arith.constant 0 : i32
    %dma_wait3A_53 = tpu.memref_slice %arg6[%dma_wait3A, %dma_wait3A_51, %dma_wait3A_52] : memref<3x2x128xi32, #tpu.memory_space<vmem>> -> memref<1x2x128xi32, #tpu.memory_space<vmem>>
    %dma_wait3A_54 = tpu.memref_squeeze %dma_wait3A_53 : memref<1x2x128xi32, #tpu.memory_space<vmem>> -> memref<2x128xi32, #tpu.memory_space<vmem>>
    %dma_wait3A_55 = arith.constant 0 : i32
    %dma_wait3A_56 = arith.constant 0 : i32
    %dma_wait3A_57 = tpu.memref_slice %arg3[%add3A_49, %dma_wait3A_55, %dma_wait3A_56] : memref<2560x2x128xi32, #tpu.memory_space<hbm>> -> memref<1x2x128xi32, #tpu.memory_space<hbm>>
    %dma_wait3A_58 = tpu.memref_squeeze %dma_wait3A_57 : memref<1x2x128xi32, #tpu.memory_space<hbm>> -> memref<2x128xi32, #tpu.memory_space<hbm>>
    %dma_wait3A_59 = tpu.memref_slice %arg7[%dma_wait3A_50] : memref<3x!tpu.dma_semaphore, #tpu.memory_space<semaphore_mem>> -> memref<1x!tpu.dma_semaphore, #tpu.memory_space<semaphore_mem>>
    %dma_wait3A_60 = tpu.memref_squeeze %dma_wait3A_59 : memref<1x!tpu.dma_semaphore, #tpu.memory_space<semaphore_mem>> -> memref<!tpu.dma_semaphore, #tpu.memory_space<semaphore_mem>>
    %dma_wait3A_61 = arith.constant 0 : i32
    %dma_wait3A_62 = arith.constant 0 : i32
    %dma_wait3A_63 = tpu.memref_slice %arg6[%dma_wait3A, %dma_wait3A_61, %dma_wait3A_62] : memref<3x2x128xi32, #tpu.memory_space<vmem>> -> memref<1x2x128xi32, #tpu.memory_space<vmem>>
    %dma_wait3A_64 = tpu.memref_squeeze %dma_wait3A_63 : memref<1x2x128xi32, #tpu.memory_space<vmem>> -> memref<2x128xi32, #tpu.memory_space<vmem>>
    %dma_wait3A_65 = arith.constant 0 : i32
    %dma_wait3A_66 = arith.constant 0 : i32
    %dma_wait3A_67 = tpu.memref_slice %arg3[%add3A_49, %dma_wait3A_65, %dma_wait3A_66] : memref<2560x2x128xi32, #tpu.memory_space<hbm>> -> memref<1x2x128xi32, #tpu.memory_space<hbm>>
    %dma_wait3A_68 = tpu.memref_squeeze %dma_wait3A_67 : memref<1x2x128xi32, #tpu.memory_space<hbm>> -> memref<2x128xi32, #tpu.memory_space<hbm>>
    tpu.wait_dma2 semaphore(%dma_wait3A_60 : memref<!tpu.dma_semaphore, #tpu.memory_space<semaphore_mem>>) src(%dma_wait3A_68 : memref<2x128xi32, #tpu.memory_space<hbm>>) dst(%dma_wait3A_64 : memref<2x128xi32, #tpu.memory_space<vmem>>)
    %dma_start3A_69 = arith.constant 0 : i32
    %dma_start3A_70 = arith.constant 0 : i32
    %dma_start3A_71 = arith.constant 0 : i32
    %dma_start3A_72 = arith.constant 0 : i32
    %dma_start3A_73 = arith.constant 0 : i32
    %dma_start3A_74 = arith.constant 0 : i32
    %dma_start3A_75 = tpu.memref_slice %arg8[%dma_start3A_71, %dma_start3A_73, %dma_start3A_74] : memref<3x128x128xf32, #tpu.memory_space<vmem>> -> memref<1x128x128xf32, #tpu.memory_space<vmem>>
    %dma_start3A_76 = tpu.memref_squeeze %dma_start3A_75 : memref<1x128x128xf32, #tpu.memory_space<vmem>> -> memref<128x128xf32, #tpu.memory_space<vmem>>
    %dma_start3A_77 = arith.constant 0 : i32
    %dma_start3A_78 = tpu.memref_slice %arg6[%dma_start3A_69, %dma_start3A_70, %dma_start3A_77] : memref<3x2x128xi32, #tpu.memory_space<vmem>> -> memref<1x1x128xi32, #tpu.memory_space<vmem>>
    %dma_start3A_79 = tpu.memref_squeeze %dma_start3A_78 : memref<1x1x128xi32, #tpu.memory_space<vmem>> -> memref<128xi32, #tpu.memory_space<vmem>>
    %dma_start3A_80 = arith.constant 0 : i32
    %dma_start3A_81 = arith.constant 0 : i32
    %dma_start3A_82 = tpu.memref_slice %arg2[%dma_start3A_80, %dma_start3A_81] : memref<10112x128xf32, #tpu.memory_space<hbm>> -> memref<10112x128xf32, #tpu.memory_space<hbm>>
    %dma_start3A_83 = tpu.memref_slice %arg9[%dma_start3A_72] : memref<3x!tpu.dma_semaphore, #tpu.memory_space<semaphore_mem>> -> memref<1x!tpu.dma_semaphore, #tpu.memory_space<semaphore_mem>>
    %dma_start3A_84 = tpu.memref_squeeze %dma_start3A_83 : memref<1x!tpu.dma_semaphore, #tpu.memory_space<semaphore_mem>> -> memref<!tpu.dma_semaphore, #tpu.memory_space<semaphore_mem>>
    tpu.enqueue_indirect_dma source(%dma_start3A_82 : memref<10112x128xf32, #tpu.memory_space<hbm>>) target(%dma_start3A_76 : memref<128x128xf32, #tpu.memory_space<vmem>>) offsets(%dma_start3A_79 : memref<128xi32, #tpu.memory_space<vmem>>) semaphore(%dma_start3A_84 : memref<!tpu.dma_semaphore, #tpu.memory_space<semaphore_mem>>)
    %add3A_85 = arith.constant 1 : i32
    %add3A_86 = arith.addi %mul3A_2, %add3A_85 : i32
    %dma_wait3A_87 = arith.constant 1 : i32
    %dma_wait3A_88 = arith.constant 1 : i32
    %dma_wait3A_89 = arith.constant 0 : i32
    %dma_wait3A_90 = arith.constant 0 : i32
    %dma_wait3A_91 = tpu.memref_slice %arg6[%dma_wait3A_87, %dma_wait3A_89, %dma_wait3A_90] : memref<3x2x128xi32, #tpu.memory_space<vmem>> -> memref<1x2x128xi32, #tpu.memory_space<vmem>>
    %dma_wait3A_92 = tpu.memref_squeeze %dma_wait3A_91 : memref<1x2x128xi32, #tpu.memory_space<vmem>> -> memref<2x128xi32, #tpu.memory_space<vmem>>
    %dma_wait3A_93 = arith.constant 0 : i32
    %dma_wait3A_94 = arith.constant 0 : i32
    %dma_wait3A_95 = tpu.memref_slice %arg3[%add3A_86, %dma_wait3A_93, %dma_wait3A_94] : memref<2560x2x128xi32, #tpu.memory_space<hbm>> -> memref<1x2x128xi32, #tpu.memory_space<hbm>>
    %dma_wait3A_96 = tpu.memref_squeeze %dma_wait3A_95 : memref<1x2x128xi32, #tpu.memory_space<hbm>> -> memref<2x128xi32, #tpu.memory_space<hbm>>
    %dma_wait3A_97 = tpu.memref_slice %arg7[%dma_wait3A_88] : memref<3x!tpu.dma_semaphore, #tpu.memory_space<semaphore_mem>> -> memref<1x!tpu.dma_semaphore, #tpu.memory_space<semaphore_mem>>
    %dma_wait3A_98 = tpu.memref_squeeze %dma_wait3A_97 : memref<1x!tpu.dma_semaphore, #tpu.memory_space<semaphore_mem>> -> memref<!tpu.dma_semaphore, #tpu.memory_space<semaphore_mem>>
    %dma_wait3A_99 = arith.constant 0 : i32
    %dma_wait3A_100 = arith.constant 0 : i32
    %dma_wait3A_101 = tpu.memref_slice %arg6[%dma_wait3A_87, %dma_wait3A_99, %dma_wait3A_100] : memref<3x2x128xi32, #tpu.memory_space<vmem>> -> memref<1x2x128xi32, #tpu.memory_space<vmem>>
    %dma_wait3A_102 = tpu.memref_squeeze %dma_wait3A_101 : memref<1x2x128xi32, #tpu.memory_space<vmem>> -> memref<2x128xi32, #tpu.memory_space<vmem>>
    %dma_wait3A_103 = arith.constant 0 : i32
    %dma_wait3A_104 = arith.constant 0 : i32
    %dma_wait3A_105 = tpu.memref_slice %arg3[%add3A_86, %dma_wait3A_103, %dma_wait3A_104] : memref<2560x2x128xi32, #tpu.memory_space<hbm>> -> memref<1x2x128xi32, #tpu.memory_space<hbm>>
    %dma_wait3A_106 = tpu.memref_squeeze %dma_wait3A_105 : memref<1x2x128xi32, #tpu.memory_space<hbm>> -> memref<2x128xi32, #tpu.memory_space<hbm>>
    tpu.wait_dma2 semaphore(%dma_wait3A_98 : memref<!tpu.dma_semaphore, #tpu.memory_space<semaphore_mem>>) src(%dma_wait3A_106 : memref<2x128xi32, #tpu.memory_space<hbm>>) dst(%dma_wait3A_102 : memref<2x128xi32, #tpu.memory_space<vmem>>)
    %dma_start3A_107 = arith.constant 1 : i32
    %dma_start3A_108 = arith.constant 0 : i32
    %dma_start3A_109 = arith.constant 1 : i32
    %dma_start3A_110 = arith.constant 1 : i32
    %dma_start3A_111 = arith.constant 0 : i32
    %dma_start3A_112 = arith.constant 0 : i32
    %dma_start3A_113 = tpu.memref_slice %arg8[%dma_start3A_109, %dma_start3A_111, %dma_start3A_112] : memref<3x128x128xf32, #tpu.memory_space<vmem>> -> memref<1x128x128xf32, #tpu.memory_space<vmem>>
    %dma_start3A_114 = tpu.memref_squeeze %dma_start3A_113 : memref<1x128x128xf32, #tpu.memory_space<vmem>> -> memref<128x128xf32, #tpu.memory_space<vmem>>
    %dma_start3A_115 = arith.constant 0 : i32
    %dma_start3A_116 = tpu.memref_slice %arg6[%dma_start3A_107, %dma_start3A_108, %dma_start3A_115] : memref<3x2x128xi32, #tpu.memory_space<vmem>> -> memref<1x1x128xi32, #tpu.memory_space<vmem>>
    %dma_start3A_117 = tpu.memref_squeeze %dma_start3A_116 : memref<1x1x128xi32, #tpu.memory_space<vmem>> -> memref<128xi32, #tpu.memory_space<vmem>>
    %dma_start3A_118 = arith.constant 0 : i32
    %dma_start3A_119 = arith.constant 0 : i32
    %dma_start3A_120 = tpu.memref_slice %arg2[%dma_start3A_118, %dma_start3A_119] : memref<10112x128xf32, #tpu.memory_space<hbm>> -> memref<10112x128xf32, #tpu.memory_space<hbm>>
    %dma_start3A_121 = tpu.memref_slice %arg9[%dma_start3A_110] : memref<3x!tpu.dma_semaphore, #tpu.memory_space<semaphore_mem>> -> memref<1x!tpu.dma_semaphore, #tpu.memory_space<semaphore_mem>>
    %dma_start3A_122 = tpu.memref_squeeze %dma_start3A_121 : memref<1x!tpu.dma_semaphore, #tpu.memory_space<semaphore_mem>> -> memref<!tpu.dma_semaphore, #tpu.memory_space<semaphore_mem>>
    tpu.enqueue_indirect_dma source(%dma_start3A_120 : memref<10112x128xf32, #tpu.memory_space<hbm>>) target(%dma_start3A_114 : memref<128x128xf32, #tpu.memory_space<vmem>>) offsets(%dma_start3A_117 : memref<128xi32, #tpu.memory_space<vmem>>) semaphore(%dma_start3A_122 : memref<!tpu.dma_semaphore, #tpu.memory_space<semaphore_mem>>)
    %scan3A = arith.constant 0 : i32
    %scan3A_123 = arith.constant 80 : i32
    %scan3A_124 = arith.addi %scan3A, %scan3A_123 : i32
    %scan3A_125 = arith.constant 1 : i32
    scf.for %scan3A_151 = %scan3A to %scan3A_124 step %scan3A_125  : i32 {
      %mul3A_152 = arith.constant 1 : i32
      %mul3A_153 = arith.muli %scan3A_151, %mul3A_152 : i32
      %add3A_154 = arith.constant 0 : i32
      %add3A_155 = arith.addi %add3A_154, %mul3A_153 : i32
      %rem3A = arith.constant 3 : i32
      %rem3A_156 = arith.remsi %add3A_155, %rem3A : i32
      %add3A_157 = arith.constant 2 : i32
      %add3A_158 = arith.addi %add3A_155, %add3A_157 : i32
      %rem3A_159 = arith.constant 3 : i32
      %rem3A_160 = arith.remsi %add3A_158, %rem3A_159 : i32
      %ge3A = arith.constant 1 : i32
      %ge3A_161 = arith.cmpi sge, %add3A_155, %ge3A : i32
      %convert_element_type3A = arith.extui %ge3A_161 : i1 to i32
      %cond3A = arith.constant 0 : i32
      %cond3A_162 = arith.cmpi ne, %convert_element_type3A, %cond3A : i32
      scf.if %cond3A_162 {
        %dma_wait3A_202 = arith.constant 1 : i32
        %dma_wait3A_203 = arith.constant 0 : i32
        %dma_wait3A_204 = arith.constant 0 : i32
        %dma_wait3A_205 = tpu.memref_slice %arg8[%rem3A_160, %dma_wait3A_203, %dma_wait3A_204] : memref<3x128x128xf32, #tpu.memory_space<vmem>> -> memref<1x128x128xf32, #tpu.memory_space<vmem>>
        %dma_wait3A_206 = tpu.memref_squeeze %dma_wait3A_205 : memref<1x128x128xf32, #tpu.memory_space<vmem>> -> memref<128x128xf32, #tpu.memory_space<vmem>>
        %dma_wait3A_207 = arith.constant 0 : i32
        %dma_wait3A_208 = tpu.memref_slice %arg6[%rem3A_160, %dma_wait3A_202, %dma_wait3A_207] : memref<3x2x128xi32, #tpu.memory_space<vmem>> -> memref<1x1x128xi32, #tpu.memory_space<vmem>>
        %dma_wait3A_209 = tpu.memref_squeeze %dma_wait3A_208 : memref<1x1x128xi32, #tpu.memory_space<vmem>> -> memref<128xi32, #tpu.memory_space<vmem>>
        %dma_wait3A_210 = arith.constant 0 : i32
        %dma_wait3A_211 = arith.constant 0 : i32
        %dma_wait3A_212 = tpu.memref_slice %arg11[%dma_wait3A_210, %dma_wait3A_211] : memref<10112x128xf32, #tpu.memory_space<vmem_shared>> -> memref<10112x128xf32, #tpu.memory_space<vmem_shared>>
        %dma_wait3A_213 = tpu.memref_slice %arg10[%rem3A_160] : memref<3x!tpu.dma_semaphore, #tpu.memory_space<semaphore_mem>> -> memref<1x!tpu.dma_semaphore, #tpu.memory_space<semaphore_mem>>
        %dma_wait3A_214 = tpu.memref_squeeze %dma_wait3A_213 : memref<1x!tpu.dma_semaphore, #tpu.memory_space<semaphore_mem>> -> memref<!tpu.dma_semaphore, #tpu.memory_space<semaphore_mem>>
        tpu.wait_indirect_dma semaphore(%dma_wait3A_214 : memref<!tpu.dma_semaphore, #tpu.memory_space<semaphore_mem>>) src(%dma_wait3A_206 : memref<128x128xf32, #tpu.memory_space<vmem>>) dst(%dma_wait3A_212 : memref<10112x128xf32, #tpu.memory_space<vmem_shared>>)
      } else {
      }
      %add3A_163 = arith.constant 2 : i32
      %add3A_164 = arith.addi %add3A_155, %add3A_163 : i32
      %lt3A = arith.constant 80 : i32
      %lt3A_165 = arith.cmpi slt, %add3A_164, %lt3A : i32
      %convert_element_type3A_166 = arith.extui %lt3A_165 : i1 to i32
      %cond3A_167 = arith.constant 0 : i32
      %cond3A_168 = arith.cmpi ne, %convert_element_type3A_166, %cond3A_167 : i32
      scf.if %cond3A_168 {
        %add3A_202 = arith.addi %mul3A_2, %add3A_155 : i32
        %add3A_203 = arith.constant 2 : i32
        %add3A_204 = arith.addi %add3A_202, %add3A_203 : i32
        %dma_start3A_205 = arith.constant 0 : i32
        %dma_start3A_206 = arith.constant 0 : i32
        %dma_start3A_207 = tpu.memref_slice %arg6[%rem3A_160, %dma_start3A_205, %dma_start3A_206] : memref<3x2x128xi32, #tpu.memory_space<vmem>> -> memref<1x2x128xi32, #tpu.memory_space<vmem>>
        %dma_start3A_208 = tpu.memref_squeeze %dma_start3A_207 : memref<1x2x128xi32, #tpu.memory_space<vmem>> -> memref<2x128xi32, #tpu.memory_space<vmem>>
        %dma_start3A_209 = arith.constant 0 : i32
        %dma_start3A_210 = arith.constant 0 : i32
        %dma_start3A_211 = tpu.memref_slice %arg3[%add3A_204, %dma_start3A_209, %dma_start3A_210] : memref<2560x2x128xi32, #tpu.memory_space<hbm>> -> memref<1x2x128xi32, #tpu.memory_space<hbm>>
        %dma_start3A_212 = tpu.memref_squeeze %dma_start3A_211 : memref<1x2x128xi32, #tpu.memory_space<hbm>> -> memref<2x128xi32, #tpu.memory_space<hbm>>
        %dma_start3A_213 = tpu.memref_slice %arg7[%rem3A_160] : memref<3x!tpu.dma_semaphore, #tpu.memory_space<semaphore_mem>> -> memref<1x!tpu.dma_semaphore, #tpu.memory_space<semaphore_mem>>
        %dma_start3A_214 = tpu.memref_squeeze %dma_start3A_213 : memref<1x!tpu.dma_semaphore, #tpu.memory_space<semaphore_mem>> -> memref<!tpu.dma_semaphore, #tpu.memory_space<semaphore_mem>>
        %dma_start3A_215 = arith.constant 0 : i32
        %dma_start3A_216 = arith.constant 0 : i32
        %dma_start3A_217 = tpu.memref_slice %arg6[%rem3A_160, %dma_start3A_215, %dma_start3A_216] : memref<3x2x128xi32, #tpu.memory_space<vmem>> -> memref<1x2x128xi32, #tpu.memory_space<vmem>>
        %dma_start3A_218 = tpu.memref_squeeze %dma_start3A_217 : memref<1x2x128xi32, #tpu.memory_space<vmem>> -> memref<2x128xi32, #tpu.memory_space<vmem>>
        %dma_start3A_219 = arith.constant 0 : i32
        %dma_start3A_220 = arith.constant 0 : i32
        %dma_start3A_221 = tpu.memref_slice %arg3[%add3A_204, %dma_start3A_219, %dma_start3A_220] : memref<2560x2x128xi32, #tpu.memory_space<hbm>> -> memref<1x2x128xi32, #tpu.memory_space<hbm>>
        %dma_start3A_222 = tpu.memref_squeeze %dma_start3A_221 : memref<1x2x128xi32, #tpu.memory_space<hbm>> -> memref<2x128xi32, #tpu.memory_space<hbm>>
        tpu.enqueue_dma source(%dma_start3A_222 : memref<2x128xi32, #tpu.memory_space<hbm>>) target(%dma_start3A_218 : memref<2x128xi32, #tpu.memory_space<vmem>>) target_semaphore(%dma_start3A_214 : memref<!tpu.dma_semaphore, #tpu.memory_space<semaphore_mem>>)
      } else {
      }
      %dma_wait3A_169 = arith.constant 0 : i32
      %dma_wait3A_170 = arith.constant 0 : i32
      %dma_wait3A_171 = arith.constant 0 : i32
      %dma_wait3A_172 = tpu.memref_slice %arg8[%rem3A_156, %dma_wait3A_170, %dma_wait3A_171] : memref<3x128x128xf32, #tpu.memory_space<vmem>> -> memref<1x128x128xf32, #tpu.memory_space<vmem>>
      %dma_wait3A_173 = tpu.memref_squeeze %dma_wait3A_172 : memref<1x128x128xf32, #tpu.memory_space<vmem>> -> memref<128x128xf32, #tpu.memory_space<vmem>>
      %dma_wait3A_174 = arith.constant 0 : i32
      %dma_wait3A_175 = tpu.memref_slice %arg6[%rem3A_156, %dma_wait3A_169, %dma_wait3A_174] : memref<3x2x128xi32, #tpu.memory_space<vmem>> -> memref<1x1x128xi32, #tpu.memory_space<vmem>>
      %dma_wait3A_176 = tpu.memref_squeeze %dma_wait3A_175 : memref<1x1x128xi32, #tpu.memory_space<vmem>> -> memref<128xi32, #tpu.memory_space<vmem>>
      %dma_wait3A_177 = arith.constant 0 : i32
      %dma_wait3A_178 = arith.constant 0 : i32
      %dma_wait3A_179 = tpu.memref_slice %arg2[%dma_wait3A_177, %dma_wait3A_178] : memref<10112x128xf32, #tpu.memory_space<hbm>> -> memref<10112x128xf32, #tpu.memory_space<hbm>>
      %dma_wait3A_180 = tpu.memref_slice %arg9[%rem3A_156] : memref<3x!tpu.dma_semaphore, #tpu.memory_space<semaphore_mem>> -> memref<1x!tpu.dma_semaphore, #tpu.memory_space<semaphore_mem>>
      %dma_wait3A_181 = tpu.memref_squeeze %dma_wait3A_180 : memref<1x!tpu.dma_semaphore, #tpu.memory_space<semaphore_mem>> -> memref<!tpu.dma_semaphore, #tpu.memory_space<semaphore_mem>>
      tpu.wait_indirect_dma semaphore(%dma_wait3A_181 : memref<!tpu.dma_semaphore, #tpu.memory_space<semaphore_mem>>) src(%dma_wait3A_179 : memref<10112x128xf32, #tpu.memory_space<hbm>>) dst(%dma_wait3A_173 : memref<128x128xf32, #tpu.memory_space<vmem>>)
      %dma_start3A_182 = arith.constant 1 : i32
      %dma_start3A_183 = arith.constant 0 : i32
      %dma_start3A_184 = arith.constant 0 : i32
      %dma_start3A_185 = tpu.memref_slice %arg8[%rem3A_156, %dma_start3A_183, %dma_start3A_184] : memref<3x128x128xf32, #tpu.memory_space<vmem>> -> memref<1x128x128xf32, #tpu.memory_space<vmem>>
      %dma_start3A_186 = tpu.memref_squeeze %dma_start3A_185 : memref<1x128x128xf32, #tpu.memory_space<vmem>> -> memref<128x128xf32, #tpu.memory_space<vmem>>
      %dma_start3A_187 = arith.constant 0 : i32
      %dma_start3A_188 = tpu.memref_slice %arg6[%rem3A_156, %dma_start3A_182, %dma_start3A_187] : memref<3x2x128xi32, #tpu.memory_space<vmem>> -> memref<1x1x128xi32, #tpu.memory_space<vmem>>
      %dma_start3A_189 = tpu.memref_squeeze %dma_start3A_188 : memref<1x1x128xi32, #tpu.memory_space<vmem>> -> memref<128xi32, #tpu.memory_space<vmem>>
      %dma_start3A_190 = arith.constant 0 : i32
      %dma_start3A_191 = arith.constant 0 : i32
      %dma_start3A_192 = tpu.memref_slice %arg11[%dma_start3A_190, %dma_start3A_191] : memref<10112x128xf32, #tpu.memory_space<vmem_shared>> -> memref<10112x128xf32, #tpu.memory_space<vmem_shared>>
      %dma_start3A_193 = tpu.memref_slice %arg10[%rem3A_156] : memref<3x!tpu.dma_semaphore, #tpu.memory_space<semaphore_mem>> -> memref<1x!tpu.dma_semaphore, #tpu.memory_space<semaphore_mem>>
      %dma_start3A_194 = tpu.memref_squeeze %dma_start3A_193 : memref<1x!tpu.dma_semaphore, #tpu.memory_space<semaphore_mem>> -> memref<!tpu.dma_semaphore, #tpu.memory_space<semaphore_mem>>
      tpu.enqueue_indirect_dma source(%dma_start3A_186 : memref<128x128xf32, #tpu.memory_space<vmem>>) target(%dma_start3A_192 : memref<10112x128xf32, #tpu.memory_space<vmem_shared>>) offsets(%dma_start3A_189 : memref<128xi32, #tpu.memory_space<vmem>>) semaphore(%dma_start3A_194 : memref<!tpu.dma_semaphore, #tpu.memory_space<semaphore_mem>>) {add = true}
      %add3A_195 = arith.constant 2 : i32
      %add3A_196 = arith.addi %add3A_155, %add3A_195 : i32
      %lt3A_197 = arith.constant 80 : i32
      %lt3A_198 = arith.cmpi slt, %add3A_196, %lt3A_197 : i32
      %convert_element_type3A_199 = arith.extui %lt3A_198 : i1 to i32
      %cond3A_200 = arith.constant 0 : i32
      %cond3A_201 = arith.cmpi ne, %convert_element_type3A_199, %cond3A_200 : i32
      scf.if %cond3A_201 {
        %add3A_202 = arith.addi %mul3A_2, %add3A_155 : i32
        %add3A_203 = arith.constant 2 : i32
        %add3A_204 = arith.addi %add3A_202, %add3A_203 : i32
        %dma_wait3A_205 = arith.constant 0 : i32
        %dma_wait3A_206 = arith.constant 0 : i32
        %dma_wait3A_207 = tpu.memref_slice %arg6[%rem3A_160, %dma_wait3A_205, %dma_wait3A_206] : memref<3x2x128xi32, #tpu.memory_space<vmem>> -> memref<1x2x128xi32, #tpu.memory_space<vmem>>
        %dma_wait3A_208 = tpu.memref_squeeze %dma_wait3A_207 : memref<1x2x128xi32, #tpu.memory_space<vmem>> -> memref<2x128xi32, #tpu.memory_space<vmem>>
        %dma_wait3A_209 = arith.constant 0 : i32
        %dma_wait3A_210 = arith.constant 0 : i32
        %dma_wait3A_211 = tpu.memref_slice %arg3[%add3A_204, %dma_wait3A_209, %dma_wait3A_210] : memref<2560x2x128xi32, #tpu.memory_space<hbm>> -> memref<1x2x128xi32, #tpu.memory_space<hbm>>
        %dma_wait3A_212 = tpu.memref_squeeze %dma_wait3A_211 : memref<1x2x128xi32, #tpu.memory_space<hbm>> -> memref<2x128xi32, #tpu.memory_space<hbm>>
        %dma_wait3A_213 = tpu.memref_slice %arg7[%rem3A_160] : memref<3x!tpu.dma_semaphore, #tpu.memory_space<semaphore_mem>> -> memref<1x!tpu.dma_semaphore, #tpu.memory_space<semaphore_mem>>
        %dma_wait3A_214 = tpu.memref_squeeze %dma_wait3A_213 : memref<1x!tpu.dma_semaphore, #tpu.memory_space<semaphore_mem>> -> memref<!tpu.dma_semaphore, #tpu.memory_space<semaphore_mem>>
        %dma_wait3A_215 = arith.constant 0 : i32
        %dma_wait3A_216 = arith.constant 0 : i32
        %dma_wait3A_217 = tpu.memref_slice %arg6[%rem3A_160, %dma_wait3A_215, %dma_wait3A_216] : memref<3x2x128xi32, #tpu.memory_space<vmem>> -> memref<1x2x128xi32, #tpu.memory_space<vmem>>
        %dma_wait3A_218 = tpu.memref_squeeze %dma_wait3A_217 : memref<1x2x128xi32, #tpu.memory_space<vmem>> -> memref<2x128xi32, #tpu.memory_space<vmem>>
        %dma_wait3A_219 = arith.constant 0 : i32
        %dma_wait3A_220 = arith.constant 0 : i32
        %dma_wait3A_221 = tpu.memref_slice %arg3[%add3A_204, %dma_wait3A_219, %dma_wait3A_220] : memref<2560x2x128xi32, #tpu.memory_space<hbm>> -> memref<1x2x128xi32, #tpu.memory_space<hbm>>
        %dma_wait3A_222 = tpu.memref_squeeze %dma_wait3A_221 : memref<1x2x128xi32, #tpu.memory_space<hbm>> -> memref<2x128xi32, #tpu.memory_space<hbm>>
        tpu.wait_dma2 semaphore(%dma_wait3A_214 : memref<!tpu.dma_semaphore, #tpu.memory_space<semaphore_mem>>) src(%dma_wait3A_222 : memref<2x128xi32, #tpu.memory_space<hbm>>) dst(%dma_wait3A_218 : memref<2x128xi32, #tpu.memory_space<vmem>>)
        %dma_start3A_223 = arith.constant 0 : i32
        %dma_start3A_224 = arith.constant 0 : i32
        %dma_start3A_225 = arith.constant 0 : i32
        %dma_start3A_226 = tpu.memref_slice %arg8[%rem3A_160, %dma_start3A_224, %dma_start3A_225] : memref<3x128x128xf32, #tpu.memory_space<vmem>> -> memref<1x128x128xf32, #tpu.memory_space<vmem>>
        %dma_start3A_227 = tpu.memref_squeeze %dma_start3A_226 : memref<1x128x128xf32, #tpu.memory_space<vmem>> -> memref<128x128xf32, #tpu.memory_space<vmem>>
        %dma_start3A_228 = arith.constant 0 : i32
        %dma_start3A_229 = tpu.memref_slice %arg6[%rem3A_160, %dma_start3A_223, %dma_start3A_228] : memref<3x2x128xi32, #tpu.memory_space<vmem>> -> memref<1x1x128xi32, #tpu.memory_space<vmem>>
        %dma_start3A_230 = tpu.memref_squeeze %dma_start3A_229 : memref<1x1x128xi32, #tpu.memory_space<vmem>> -> memref<128xi32, #tpu.memory_space<vmem>>
        %dma_start3A_231 = arith.constant 0 : i32
        %dma_start3A_232 = arith.constant 0 : i32
        %dma_start3A_233 = tpu.memref_slice %arg2[%dma_start3A_231, %dma_start3A_232] : memref<10112x128xf32, #tpu.memory_space<hbm>> -> memref<10112x128xf32, #tpu.memory_space<hbm>>
        %dma_start3A_234 = tpu.memref_slice %arg9[%rem3A_160] : memref<3x!tpu.dma_semaphore, #tpu.memory_space<semaphore_mem>> -> memref<1x!tpu.dma_semaphore, #tpu.memory_space<semaphore_mem>>
        %dma_start3A_235 = tpu.memref_squeeze %dma_start3A_234 : memref<1x!tpu.dma_semaphore, #tpu.memory_space<semaphore_mem>> -> memref<!tpu.dma_semaphore, #tpu.memory_space<semaphore_mem>>
        tpu.enqueue_indirect_dma source(%dma_start3A_233 : memref<10112x128xf32, #tpu.memory_space<hbm>>) target(%dma_start3A_227 : memref<128x128xf32, #tpu.memory_space<vmem>>) offsets(%dma_start3A_230 : memref<128xi32, #tpu.memory_space<vmem>>) semaphore(%dma_start3A_235 : memref<!tpu.dma_semaphore, #tpu.memory_space<semaphore_mem>>)
      } else {
      }
    }
    %scan3A_126 = arith.constant 80 : i32
    %dma_wait3A_127 = arith.constant 1 : i32
    %dma_wait3A_128 = arith.constant 1 : i32
    %dma_wait3A_129 = arith.constant 1 : i32
    %dma_wait3A_130 = arith.constant 1 : i32
    %dma_wait3A_131 = arith.constant 0 : i32
    %dma_wait3A_132 = arith.constant 0 : i32
    %dma_wait3A_133 = tpu.memref_slice %arg8[%dma_wait3A_127, %dma_wait3A_131, %dma_wait3A_132] : memref<3x128x128xf32, #tpu.memory_space<vmem>> -> memref<1x128x128xf32, #tpu.memory_space<vmem>>
    %dma_wait3A_134 = tpu.memref_squeeze %dma_wait3A_133 : memref<1x128x128xf32, #tpu.memory_space<vmem>> -> memref<128x128xf32, #tpu.memory_space<vmem>>
    %dma_wait3A_135 = arith.constant 0 : i32
    %dma_wait3A_136 = tpu.memref_slice %arg6[%dma_wait3A_128, %dma_wait3A_129, %dma_wait3A_135] : memref<3x2x128xi32, #tpu.memory_space<vmem>> -> memref<1x1x128xi32, #tpu.memory_space<vmem>>
    %dma_wait3A_137 = tpu.memref_squeeze %dma_wait3A_136 : memref<1x1x128xi32, #tpu.memory_space<vmem>> -> memref<128xi32, #tpu.memory_space<vmem>>
    %dma_wait3A_138 = arith.constant 0 : i32
    %dma_wait3A_139 = arith.constant 0 : i32
    %dma_wait3A_140 = tpu.memref_slice %arg11[%dma_wait3A_138, %dma_wait3A_139] : memref<10112x128xf32, #tpu.memory_space<vmem_shared>> -> memref<10112x128xf32, #tpu.memory_space<vmem_shared>>
    %dma_wait3A_141 = tpu.memref_slice %arg10[%dma_wait3A_130] : memref<3x!tpu.dma_semaphore, #tpu.memory_space<semaphore_mem>> -> memref<1x!tpu.dma_semaphore, #tpu.memory_space<semaphore_mem>>
    %dma_wait3A_142 = tpu.memref_squeeze %dma_wait3A_141 : memref<1x!tpu.dma_semaphore, #tpu.memory_space<semaphore_mem>> -> memref<!tpu.dma_semaphore, #tpu.memory_space<semaphore_mem>>
    tpu.wait_indirect_dma semaphore(%dma_wait3A_142 : memref<!tpu.dma_semaphore, #tpu.memory_space<semaphore_mem>>) src(%dma_wait3A_134 : memref<128x128xf32, #tpu.memory_space<vmem>>) dst(%dma_wait3A_140 : memref<10112x128xf32, #tpu.memory_space<vmem_shared>>)
    %barrier3A_143 = arith.constant 0 : index
    tpu.barrier barrier_id(%barrier3A_143)
    %mul3A_144 = arith.constant 10112 : i32
    %mul3A_145 = arith.muli %arg0, %mul3A_144 : i32
    %mul3A_146 = arith.constant 632 : i32
    %mul3A_147 = arith.muli %arg1, %mul3A_146 : i32
    %add3A_148 = arith.addi %mul3A_145, %mul3A_147 : i32
    %mul3A_149 = arith.constant 632 : i32
    %mul3A_150 = arith.muli %arg1, %mul3A_149 : i32
    "tpu.region"() ({
      %run_scoped3A = tpu.sem_alloc : memref<!tpu.dma_semaphore, #tpu.memory_space<semaphore_mem>>
      %dma_start3A_151 = arith.constant 0 : i32
      %dma_start3A_152 = tpu.memref_slice %arg5[%add3A_148, %dma_start3A_151] : memref<20224x128xf32, #tpu.memory_space<hbm>> -> memref<632x128xf32, #tpu.memory_space<hbm>>
      %dma_start3A_153 = arith.constant 0 : i32
      %dma_start3A_154 = tpu.memref_slice %arg11[%mul3A_150, %dma_start3A_153] : memref<10112x128xf32, #tpu.memory_space<vmem_shared>> -> memref<632x128xf32, #tpu.memory_space<vmem_shared>>
      tpu.enqueue_dma source(%dma_start3A_154 : memref<632x128xf32, #tpu.memory_space<vmem_shared>>) target(%dma_start3A_152 : memref<632x128xf32, #tpu.memory_space<hbm>>) target_semaphore(%run_scoped3A : memref<!tpu.dma_semaphore, #tpu.memory_space<semaphore_mem>>)
      %dma_wait3A_155 = arith.constant 0 : i32
      %dma_wait3A_156 = tpu.memref_slice %arg5[%add3A_148, %dma_wait3A_155] : memref<20224x128xf32, #tpu.memory_space<hbm>> -> memref<632x128xf32, #tpu.memory_space<hbm>>
      %dma_wait3A_157 = arith.constant 0 : i32
      %dma_wait3A_158 = tpu.memref_slice %arg11[%mul3A_150, %dma_wait3A_157] : memref<10112x128xf32, #tpu.memory_space<vmem_shared>> -> memref<632x128xf32, #tpu.memory_space<vmem_shared>>
      tpu.wait_dma2 semaphore(%run_scoped3A : memref<!tpu.dma_semaphore, #tpu.memory_space<semaphore_mem>>) src(%dma_wait3A_158 : memref<632x128xf32, #tpu.memory_space<vmem_shared>>) dst(%dma_wait3A_156 : memref<632x128xf32, #tpu.memory_space<hbm>>)
      tpu.yield
    }) : () -> ()
    return
  }
}

module attributes {stable_mosaic.version = 14 : i64} {
  func.func @body(%arg0: i32, %arg1: memref<2x79x128xf32, #tpu.memory_space<vmem>>, %arg2: memref<128x128xf32, #tpu.memory_space<vmem>>) attributes {dimension_semantics = [#tpu.dimension_semantics<arbitrary>], iteration_bounds = array<i64: 79>, scalar_prefetch = 0 : i64, scratch_operands = 0 : i64, tpu.core_type = #tpu.core_type<tc>, window_params = [{pipeline_mode = #tpu.pipeline_mode<synchronous>, transform_indices = @transform_0, window_bounds = array<i64: 2, 79, 128>}, {transform_indices = @transform_1, window_bounds = array<i64: 128, 128>}]} {
    %get3A = arith.constant 0 : index
    %get3A_0 = arith.index_cast %arg0 : i32 to index
    %get3A_1 = arith.constant 0 : index
    %get3A_2 = vector.load %arg1[%get3A, %get3A_0, %get3A_1] : memref<2x79x128xf32, #tpu.memory_space<vmem>>, vector<1x1x128xf32>
    %get3A_3 = vector.shape_cast %get3A_2 : vector<1x1x128xf32> to vector<128xf32>
    %get3A_4 = arith.constant 1 : index
    %get3A_5 = arith.index_cast %arg0 : i32 to index
    %get3A_6 = arith.constant 0 : index
    %get3A_7 = vector.load %arg1[%get3A_4, %get3A_5, %get3A_6] : memref<2x79x128xf32, #tpu.memory_space<vmem>>, vector<1x1x128xf32>
    %get3A_8 = vector.shape_cast %get3A_7 : vector<1x1x128xf32> to vector<128xf32>
    %add3A = arith.addf %get3A_3, %get3A_8 : vector<128xf32>
    %max3A = arith.constant 1.000000e+00 : f32
    %max3A_9 = vector.broadcast %max3A : f32 to vector<128xf32>
    %max3A_10 = arith.maximumf %add3A, %max3A_9 : vector<128xf32>
    %div3A = arith.constant 1.000000e+00 : f32
    %div3A_11 = vector.broadcast %div3A : f32 to vector<128xf32>
    %div3A_12 = arith.divf %div3A_11, %max3A_10 : vector<128xf32>
    %reshape3A = vector.shape_cast %div3A_12 : vector<128xf32> to vector<1x128xf32>
    %iota3A = tpu.iota {dimensions = array<i32: 0>} : vector<128x128xi32>
    %iota3A_13 = tpu.iota {dimensions = array<i32: 1>} : vector<128x128xi32>
    %eq3A = arith.cmpi eq, %iota3A, %iota3A_13 : vector<128x128xi32>
    %convert_element_type3A = arith.extui %eq3A : vector<128x128xi1> to vector<128x128xi32>
    %convert_element_type3A_14 = arith.sitofp %convert_element_type3A : vector<128x128xi32> to vector<128x128xf32>
    %dot_general3A = arith.constant dense<0.000000e+00> : vector<128x1xf32>
    %dot_general3A_15 = tpu.matmul %convert_element_type3A_14, %reshape3A, %dot_general3A {dimension_numbers = #tpu.dot_dimension_numbers<[1], [1], [0], [0], [0, 0, 1, 0], [], []>, transpose_lhs_hint = false} : vector<128x128xf32>, vector<1x128xf32>, vector<128x1xf32> -> vector<128x1xf32>
    %broadcast_in_dim3A = vector.shape_cast %dot_general3A_15 : vector<128x1xf32> to vector<128x1xf32>
    %broadcast_in_dim3A_16 = vector.broadcast %broadcast_in_dim3A : vector<128x1xf32> to vector<128x128xf32>
    %swap3A = arith.constant 0 : index
    %swap3A_17 = arith.constant 0 : index
    %swap3A_18 = vector.load %arg2[%swap3A, %swap3A_17] : memref<128x128xf32, #tpu.memory_space<vmem>>, vector<128x128xf32>
    tpu.vector_store %arg2[%swap3A, %swap3A_17], %broadcast_in_dim3A_16 {strides = array<i32>} : memref<128x128xf32, #tpu.memory_space<vmem>>, vector<128x128xf32>,
    return
  }
  func.func @transform_0(%arg0: i32) -> (i32, i32, i32) {
    %c0_i32 = arith.constant 0 : i32
    %c0_i32_0 = arith.constant 0 : i32
    %c0_i32_1 = arith.constant 0 : i32
    %c0_i32_2 = arith.constant 0 : i32
    return %c0_i32, %c0_i32_0, %c0_i32_1 : i32, i32, i32
  }
  func.func @transform_1(%arg0: i32) -> (i32, i32) {
    %c0_i32 = arith.constant 0 : i32
    %c0_i32_0 = arith.constant 0 : i32
    return %arg0, %c0_i32 : i32, i32
  }
}

module attributes {stable_mosaic.version = 14 : i64} {
  func.func @body(%arg0: i32, %arg1: memref<2x632x128xf32, #tpu.memory_space<vmem>>, %arg2: memref<632x128xf32, #tpu.memory_space<vmem>>, %arg3: memref<632x128xf32, #tpu.memory_space<vmem>>, %arg4: memref<128x128xf32, #tpu.memory_space<vmem>>, %arg5: memref<1x128xf32, #tpu.memory_space<vmem>>, %arg6: memref<128x128xf32, #tpu.memory_space<vmem>>, %arg7: memref<632x128xf32, #tpu.memory_space<vmem>>) attributes {dimension_semantics = [#tpu.dimension_semantics<arbitrary>], iteration_bounds = array<i64: 16>, scalar_prefetch = 0 : i64, scratch_operands = 0 : i64, tpu.core_type = #tpu.core_type<tc>, window_params = [{transform_indices = @transform_0, window_bounds = array<i64: 2, 632, 128>}, {transform_indices = @transform_1, window_bounds = array<i64: 632, 128>}, {transform_indices = @transform_2, window_bounds = array<i64: 632, 128>}, {pipeline_mode = #tpu.pipeline_mode<synchronous>, transform_indices = @transform_3, window_bounds = array<i64: 128, 128>}, {pipeline_mode = #tpu.pipeline_mode<synchronous>, transform_indices = @transform_4, window_bounds = array<i64: 1, 128>}, {pipeline_mode = #tpu.pipeline_mode<synchronous>, transform_indices = @transform_5, window_bounds = array<i64: 128, 128>}, {transform_indices = @transform_6, window_bounds = array<i64: 632, 128>}]} {
    %get3A = arith.constant 0 : index
    %get3A_0 = arith.constant 0 : index
    %get3A_1 = arith.constant 0 : index
    %get3A_2 = vector.load %arg1[%get3A, %get3A_0, %get3A_1] : memref<2x632x128xf32, #tpu.memory_space<vmem>>, vector<1x632x128xf32>
    %get3A_3 = vector.shape_cast %get3A_2 : vector<1x632x128xf32> to vector<632x128xf32>
    %get3A_4 = arith.constant 1 : index
    %get3A_5 = arith.constant 0 : index
    %get3A_6 = arith.constant 0 : index
    %get3A_7 = vector.load %arg1[%get3A_4, %get3A_5, %get3A_6] : memref<2x632x128xf32, #tpu.memory_space<vmem>>, vector<1x632x128xf32>
    %get3A_8 = vector.shape_cast %get3A_7 : vector<1x632x128xf32> to vector<632x128xf32>
    %add3A = arith.addf %get3A_3, %get3A_8 : vector<632x128xf32>
    %get3A_9 = arith.constant 0 : index
    %get3A_10 = arith.constant 0 : index
    %get3A_11 = vector.load %arg2[%get3A_9, %get3A_10] : memref<632x128xf32, #tpu.memory_space<vmem>>, vector<632x128xf32>
    %mul3A = arith.mulf %add3A, %get3A_11 : vector<632x128xf32>
    %get3A_12 = arith.constant 0 : index
    %get3A_13 = arith.constant 0 : index
    %get3A_14 = vector.load %arg4[%get3A_12, %get3A_13] : memref<128x128xf32, #tpu.memory_space<vmem>>, vector<128x128xf32>
    %dot_general3A = arith.constant dense<0.000000e+00> : vector<632x128xf32>
    %dot_general3A_15 = tpu.matmul %mul3A, %get3A_14, %dot_general3A {dimension_numbers = #tpu.dot_dimension_numbers<[1], [0], [0], [1], [0, 0, 1, 1], [], []>, transpose_lhs_hint = false} : vector<632x128xf32>, vector<128x128xf32>, vector<632x128xf32> -> vector<632x128xf32>
    %get3A_16 = arith.constant 0 : index
    %get3A_17 = arith.constant 0 : index
    %get3A_18 = vector.load %arg5[%get3A_16, %get3A_17] : memref<1x128xf32, #tpu.memory_space<vmem>>, vector<1x128xf32>
    %add3A_19 = vector.broadcast %get3A_18 : vector<1x128xf32> to vector<632x128xf32>
    %add3A_20 = arith.addf %dot_general3A_15, %add3A_19 : vector<632x128xf32>
    %get3A_21 = arith.constant 0 : index
    %get3A_22 = arith.constant 0 : index
    %get3A_23 = vector.load %arg3[%get3A_21, %get3A_22] : memref<632x128xf32, #tpu.memory_space<vmem>>, vector<632x128xf32>
    %get3A_24 = arith.constant 0 : index
    %get3A_25 = arith.constant 0 : index
    %get3A_26 = vector.load %arg6[%get3A_24, %get3A_25] : memref<128x128xf32, #tpu.memory_space<vmem>>, vector<128x128xf32>
    %dot_general3A_27 = arith.constant dense<0.000000e+00> : vector<632x128xf32>
    %dot_general3A_28 = tpu.matmul %get3A_23, %get3A_26, %dot_general3A_27 {dimension_numbers = #tpu.dot_dimension_numbers<[1], [0], [0], [1], [0, 0, 1, 1], [], []>, transpose_lhs_hint = false} : vector<632x128xf32>, vector<128x128xf32>, vector<632x128xf32> -> vector<632x128xf32>
    %add3A_29 = arith.addf %add3A_20, %dot_general3A_28 : vector<632x128xf32>
    %mul3A_30 = arith.mulf %add3A_29, %add3A_29 : vector<632x128xf32>
    %reduce_sum3A = arith.constant dense<0.000000e+00> : vector<632xf32>
    %reduce_sum3A_31 = vector.multi_reduction <add>, %mul3A_30, %reduce_sum3A [1] : vector<632x128xf32> to vector<632xf32>
    %broadcast_in_dim3A = vector.shape_cast %reduce_sum3A_31 : vector<632xf32> to vector<632x1xf32>
    %sqrt3A = math.sqrt %broadcast_in_dim3A : vector<632x1xf32>
    %max3A = arith.constant 9.99999996E-13 : f32
    %max3A_32 = vector.broadcast %max3A : f32 to vector<632x1xf32>
    %max3A_33 = arith.maximumf %sqrt3A, %max3A_32 : vector<632x1xf32>
    %div3A = arith.constant 1.000000e+00 : f32
    %div3A_34 = vector.broadcast %div3A : f32 to vector<632x1xf32>
    %div3A_35 = arith.divf %div3A_34, %max3A_33 : vector<632x1xf32>
    %mul3A_36 = vector.broadcast %div3A_35 : vector<632x1xf32> to vector<632x128xf32>
    %mul3A_37 = arith.mulf %add3A_29, %mul3A_36 : vector<632x128xf32>
    %max3A_38 = arith.constant 0.000000e+00 : f32
    %max3A_39 = vector.broadcast %max3A_38 : f32 to vector<632x128xf32>
    %max3A_40 = arith.maximumf %mul3A_37, %max3A_39 : vector<632x128xf32>
    %swap3A = arith.constant 0 : index
    %swap3A_41 = arith.constant 0 : index
    %swap3A_42 = vector.load %arg7[%swap3A, %swap3A_41] : memref<632x128xf32, #tpu.memory_space<vmem>>, vector<632x128xf32>
    tpu.vector_store %arg7[%swap3A, %swap3A_41], %max3A_40 {strides = array<i32>} : memref<632x128xf32, #tpu.memory_space<vmem>>, vector<632x128xf32>,
    return
  }
  func.func @transform_0(%arg0: i32) -> (i32, i32, i32) {
    %c0_i32 = arith.constant 0 : i32
    %c0_i32_0 = arith.constant 0 : i32
    %c0_i32_1 = arith.constant 0 : i32
    return %c0_i32, %arg0, %c0_i32_0 : i32, i32, i32
  }
  func.func @transform_1(%arg0: i32) -> (i32, i32) {
    %c0_i32 = arith.constant 0 : i32
    %c0_i32_0 = arith.constant 0 : i32
    return %arg0, %c0_i32 : i32, i32
  }
  func.func @transform_2(%arg0: i32) -> (i32, i32) {
    %c0_i32 = arith.constant 0 : i32
    %c0_i32_0 = arith.constant 0 : i32
    return %arg0, %c0_i32 : i32, i32
  }
  func.func @transform_3(%arg0: i32) -> (i32, i32) {
    %c0_i32 = arith.constant 0 : i32
    %c0_i32_0 = arith.constant 0 : i32
    %c0_i32_1 = arith.constant 0 : i32
    return %c0_i32, %c0_i32_0 : i32, i32
  }
  func.func @transform_4(%arg0: i32) -> (i32, i32) {
    %c0_i32 = arith.constant 0 : i32
    %c0_i32_0 = arith.constant 0 : i32
    %c0_i32_1 = arith.constant 0 : i32
    return %c0_i32, %c0_i32_0 : i32, i32
  }
  func.func @transform_5(%arg0: i32) -> (i32, i32) {
    %c0_i32 = arith.constant 0 : i32
    %c0_i32_0 = arith.constant 0 : i32
    %c0_i32_1 = arith.constant 0 : i32
    return %c0_i32, %c0_i32_0 : i32, i32
  }
  func.func @transform_6(%arg0: i32) -> (i32, i32) {
    %c0_i32 = arith.constant 0 : i32
    %c0_i32_0 = arith.constant 0 : i32
    return %arg0, %c0_i32 : i32, i32
  }
}

module attributes {stable_mosaic.version = 14 : i64} {
  func.func @body(%arg0: i32, %arg1: memref<2x632x128xf32, #tpu.memory_space<vmem>>, %arg2: memref<632x128xf32, #tpu.memory_space<vmem>>, %arg3: memref<632x128xf32, #tpu.memory_space<vmem>>, %arg4: memref<128x128xf32, #tpu.memory_space<vmem>>, %arg5: memref<1x128xf32, #tpu.memory_space<vmem>>, %arg6: memref<128x128xf32, #tpu.memory_space<vmem>>, %arg7: memref<632x128xf32, #tpu.memory_space<vmem>>) attributes {dimension_semantics = [#tpu.dimension_semantics<arbitrary>], iteration_bounds = array<i64: 16>, scalar_prefetch = 0 : i64, scratch_operands = 0 : i64, tpu.core_type = #tpu.core_type<tc>, window_params = [{transform_indices = @transform_0, window_bounds = array<i64: 2, 632, 128>}, {transform_indices = @transform_1, window_bounds = array<i64: 632, 128>}, {transform_indices = @transform_2, window_bounds = array<i64: 632, 128>}, {pipeline_mode = #tpu.pipeline_mode<synchronous>, transform_indices = @transform_3, window_bounds = array<i64: 128, 128>}, {pipeline_mode = #tpu.pipeline_mode<synchronous>, transform_indices = @transform_4, window_bounds = array<i64: 1, 128>}, {pipeline_mode = #tpu.pipeline_mode<synchronous>, transform_indices = @transform_5, window_bounds = array<i64: 128, 128>}, {transform_indices = @transform_6, window_bounds = array<i64: 632, 128>}]} {
    %get3A = arith.constant 0 : index
    %get3A_0 = arith.constant 0 : index
    %get3A_1 = arith.constant 0 : index
    %get3A_2 = vector.load %arg1[%get3A, %get3A_0, %get3A_1] : memref<2x632x128xf32, #tpu.memory_space<vmem>>, vector<1x632x128xf32>
    %get3A_3 = vector.shape_cast %get3A_2 : vector<1x632x128xf32> to vector<632x128xf32>
    %get3A_4 = arith.constant 1 : index
    %get3A_5 = arith.constant 0 : index
    %get3A_6 = arith.constant 0 : index
    %get3A_7 = vector.load %arg1[%get3A_4, %get3A_5, %get3A_6] : memref<2x632x128xf32, #tpu.memory_space<vmem>>, vector<1x632x128xf32>
    %get3A_8 = vector.shape_cast %get3A_7 : vector<1x632x128xf32> to vector<632x128xf32>
    %add3A = arith.addf %get3A_3, %get3A_8 : vector<632x128xf32>
    %get3A_9 = arith.constant 0 : index
    %get3A_10 = arith.constant 0 : index
    %get3A_11 = vector.load %arg2[%get3A_9, %get3A_10] : memref<632x128xf32, #tpu.memory_space<vmem>>, vector<632x128xf32>
    %mul3A = arith.mulf %add3A, %get3A_11 : vector<632x128xf32>
    %get3A_12 = arith.constant 0 : index
    %get3A_13 = arith.constant 0 : index
    %get3A_14 = vector.load %arg4[%get3A_12, %get3A_13] : memref<128x128xf32, #tpu.memory_space<vmem>>, vector<128x128xf32>
    %dot_general3A = arith.constant dense<0.000000e+00> : vector<632x128xf32>
    %dot_general3A_15 = tpu.matmul %mul3A, %get3A_14, %dot_general3A {dimension_numbers = #tpu.dot_dimension_numbers<[1], [0], [0], [1], [0, 0, 1, 1], [], []>, transpose_lhs_hint = false} : vector<632x128xf32>, vector<128x128xf32>, vector<632x128xf32> -> vector<632x128xf32>
    %get3A_16 = arith.constant 0 : index
    %get3A_17 = arith.constant 0 : index
    %get3A_18 = vector.load %arg5[%get3A_16, %get3A_17] : memref<1x128xf32, #tpu.memory_space<vmem>>, vector<1x128xf32>
    %add3A_19 = vector.broadcast %get3A_18 : vector<1x128xf32> to vector<632x128xf32>
    %add3A_20 = arith.addf %dot_general3A_15, %add3A_19 : vector<632x128xf32>
    %get3A_21 = arith.constant 0 : index
    %get3A_22 = arith.constant 0 : index
    %get3A_23 = vector.load %arg3[%get3A_21, %get3A_22] : memref<632x128xf32, #tpu.memory_space<vmem>>, vector<632x128xf32>
    %get3A_24 = arith.constant 0 : index
    %get3A_25 = arith.constant 0 : index
    %get3A_26 = vector.load %arg6[%get3A_24, %get3A_25] : memref<128x128xf32, #tpu.memory_space<vmem>>, vector<128x128xf32>
    %dot_general3A_27 = arith.constant dense<0.000000e+00> : vector<632x128xf32>
    %dot_general3A_28 = tpu.matmul %get3A_23, %get3A_26, %dot_general3A_27 {dimension_numbers = #tpu.dot_dimension_numbers<[1], [0], [0], [1], [0, 0, 1, 1], [], []>, transpose_lhs_hint = false} : vector<632x128xf32>, vector<128x128xf32>, vector<632x128xf32> -> vector<632x128xf32>
    %add3A_29 = arith.addf %add3A_20, %dot_general3A_28 : vector<632x128xf32>
    %mul3A_30 = arith.mulf %add3A_29, %add3A_29 : vector<632x128xf32>
    %reduce_sum3A = arith.constant dense<0.000000e+00> : vector<632xf32>
    %reduce_sum3A_31 = vector.multi_reduction <add>, %mul3A_30, %reduce_sum3A [1] : vector<632x128xf32> to vector<632xf32>
    %broadcast_in_dim3A = vector.shape_cast %reduce_sum3A_31 : vector<632xf32> to vector<632x1xf32>
    %sqrt3A = math.sqrt %broadcast_in_dim3A : vector<632x1xf32>
    %max3A = arith.constant 9.99999996E-13 : f32
    %max3A_32 = vector.broadcast %max3A : f32 to vector<632x1xf32>
    %max3A_33 = arith.maximumf %sqrt3A, %max3A_32 : vector<632x1xf32>
    %div3A = arith.constant 1.000000e+00 : f32
    %div3A_34 = vector.broadcast %div3A : f32 to vector<632x1xf32>
    %div3A_35 = arith.divf %div3A_34, %max3A_33 : vector<632x1xf32>
    %mul3A_36 = vector.broadcast %div3A_35 : vector<632x1xf32> to vector<632x128xf32>
    %mul3A_37 = arith.mulf %add3A_29, %mul3A_36 : vector<632x128xf32>
    %swap3A = arith.constant 0 : index
    %swap3A_38 = arith.constant 0 : index
    %swap3A_39 = vector.load %arg7[%swap3A, %swap3A_38] : memref<632x128xf32, #tpu.memory_space<vmem>>, vector<632x128xf32>
    tpu.vector_store %arg7[%swap3A, %swap3A_38], %mul3A_37 {strides = array<i32>} : memref<632x128xf32, #tpu.memory_space<vmem>>, vector<632x128xf32>,
    return
  }
  func.func @transform_0(%arg0: i32) -> (i32, i32, i32) {
    %c0_i32 = arith.constant 0 : i32
    %c0_i32_0 = arith.constant 0 : i32
    %c0_i32_1 = arith.constant 0 : i32
    return %c0_i32, %arg0, %c0_i32_0 : i32, i32, i32
  }
  func.func @transform_1(%arg0: i32) -> (i32, i32) {
    %c0_i32 = arith.constant 0 : i32
    %c0_i32_0 = arith.constant 0 : i32
    return %arg0, %c0_i32 : i32, i32
  }
  func.func @transform_2(%arg0: i32) -> (i32, i32) {
    %c0_i32 = arith.constant 0 : i32
    %c0_i32_0 = arith.constant 0 : i32
    return %arg0, %c0_i32 : i32, i32
  }
  func.func @transform_3(%arg0: i32) -> (i32, i32) {
    %c0_i32 = arith.constant 0 : i32
    %c0_i32_0 = arith.constant 0 : i32
    %c0_i32_1 = arith.constant 0 : i32
    return %c0_i32, %c0_i32_0 : i32, i32
  }
  func.func @transform_4(%arg0: i32) -> (i32, i32) {
    %c0_i32 = arith.constant 0 : i32
    %c0_i32_0 = arith.constant 0 : i32
    %c0_i32_1 = arith.constant 0 : i32
    return %c0_i32, %c0_i32_0 : i32, i32
  }
  func.func @transform_5(%arg0: i32) -> (i32, i32) {
    %c0_i32 = arith.constant 0 : i32
    %c0_i32_0 = arith.constant 0 : i32
    %c0_i32_1 = arith.constant 0 : i32
    return %c0_i32, %c0_i32_0 : i32, i32
  }
  func.func @transform_6(%arg0: i32) -> (i32, i32) {
    %c0_i32 = arith.constant 0 : i32
    %c0_i32_0 = arith.constant 0 : i32
    return %arg0, %c0_i32 : i32, i32
  }
}

</mosaic_0001>

<sc_bundles>
// kernel: kernel.11.cloned.1.call-start
scs
__scs_entry_jumppad:
0x0: {  	(pc) =	sbr.rel $0x88, $3  }
0x1: {  	(tag) =	ssettag $0x0;
	lr =	simm.s32 $0x1  }
0x2: {  	[smem:$0x3F99] =	sst lr;
	_ =	strace $0xD0000000  }
0x3: {  	_ = 	snop  }
0x4: {  	_ = 	snop  }
0x5: {  	_ = 	snop  }
0x6: {  	_ = 	snop  }
0x7: {  	_ = 	snop  }
__scs_overlays_trampoline_lowered:
0x8: {  	[smem:$0x3FA8] =	sst s0  }
0x9: {  	[smem:$0x3FA9] =	sst s1  }
0xa: {  	[smem:$0x3FAA] =	sst s2  }
0xb: {  	[smem:$0x3FAB] =	sst s3  }
0xc: {  	[smem:$0x3FAC] =	sst s4  }
0xd: {  	[smem:$0x3FAD] =	sst s5  }
0xe: {  	[smem:$0x3FAE] =	sst s6  }
0xf: {  	[smem:$0x3FAF] =	sst s7  }
0x10: {  	[smem:$0x3FB0] =	sst s8  }
0x11: {  	[smem:$0x3FB1] =	sst s9;
	s0 =	simm.s32 @!p0 $0x0  }
0x12: {  	s1 =	sld [smem:$0x3F97];
	s0 =	simm.s32 @p0 $0x1  }
0x13: {  	[smem:$0x3FB2] =	sst s0;
	s0 =	simm.s32 @!p1 $0x0  }
0x14: {  	s2 =	sld [smem:$0x3F96];
	s0 =	simm.s32 @p1 $0x1  }
0x15: {  	[smem:$0x3FB3] =	sst s0;
	s0 =	simm.s32 @!p2 $0x0  }
0x16: {  	s3 =	sld [smem:$0x3FDB];
	s0 =	simm.s32 @p2 $0x1  }
0x17: {  	s4 =	simm.s32 $0x1BF5;
	[smem:$0x3FB5] =	sst s0  }
0x18: {  	s0 =	sld [smem:$0x3F98];
	_ =	swait.ge [sflag:s4], $0x0  }
0x19: {  	s7 =	sld [smem:$0x3F99]  }
0x1a: {  	s8 =	sadd.s32 $0xFFFFE003, lr  }
0x1b: {  	s9 =	sadd.s32 $0xFFFFFEF7, lr;
	s5 =	simm.s32 $0xFFFFFFFF;
	p2 =	slt.u32 s8, $0xFFFFF086  }
0x1c: {  	p1 =	slt.u32 s9, $0xF7A;
	s5 =	simm.s32 @!p2 $0x0  }
0x1d: {  	s5 =	simm.s32 @p1 $0x1;
	p0 =	seq.s32 s7, s2  }
0x1e: {  	s7 =	smul.u32 @!p0 $0xF7A, s2;
	p2 =	seq.s32 @!p0 s5, $0x0  }
0x1f: {  	s9 =	smul.u32 $0xF7A, s1;
	s8 =	simm.s32 @!p0 $0x1BF5;
	p2 =	por !p2, p0  }
0x20: {  	[sflag:s8] =	ssyncset.s32 @!p0 $0xFFFFF086;
	s6 =	sadd.s32 @!p0 s3, s7;
	s7 =	simm.s32 @!p0 $0x108  }
0x21: {  	s3 =	sadd.s32 s3, s9;
	s6 =	sadd.s32 @!p0 $0x88, s6;
	s7 =	simm.s32 @p2 $0x1082  }
0x22: {  	[simem:s7], [sflag:s8] =	dma.local @!p0 [hbm:s6], $0xF7A  }
0x23: {  	s9 =	sor.u32 $0xD0000000, s2;
	s6 =	simm.s32 $0x108;
	_ =	swait.ge @!p0 [sflag:s8], $0x0  }
0x24: {  	s3 =	sadd.s32 $0x88, s3;
	s6 =	simm.s32 @!p1 $0x1082;
	[sflag:s4] =	ssyncset.s32 $0xFFFFF086  }
0x25: {  	[simem:s6], [sflag:s4] =	dma.local [hbm:s3], $0xF7A  }
0x26: {  	[smem:$0x3F99] =	sst s1;
	(tag) =	ssettag s2;
	_ =	strace s9  }
0x27: {  	s1 =	sld [smem:$0x3FA9]  }
0x28: {  	s2 =	sld [smem:$0x3FAA]  }
0x29: {  	s4 =	sld [smem:$0x3FAC]  }
0x2a: {  	p0 =	seq.s32 s5, $0x0;
	s5 =	sld [smem:$0x3FAD]  }
0x2b: {  	s6 =	sld [smem:$0x3FAE]  }
0x2c: {  	s7 =	sld [smem:$0x3FAF]  }
0x2d: {  	s3 =	simm.s32 $0x108;
	s8 =	sld [smem:$0x3FB0]  }
0x2e: {  	s3 =	simm.s32 @!p0 $0x1082;
	s9 =	sld [smem:$0x3FB1]  }
0x2f: {  	lr =	sadd.s32 s0, s3;
	s0 =	sld [smem:$0x3FA8]  }
0x30: {  	s3 =	sld [smem:$0x3FAB]  }
0x31: {  	[smem:$0x3FB4] =	sst s10  }
0x32: {  	s10 =	sld [smem:$0x3FB2];
	_ =	sdelay $0x3  }
0x33: {  	p0 =	seq.s32 s10, $0x1;
	s10 =	sld [smem:$0x3FB4];
	_ =	sdelay $0x3  }
0x34: {  	[smem:$0x3FB4] =	sst s10  }
0x35: {  	s10 =	sld [smem:$0x3FB3];
	_ =	sdelay $0x3  }
0x36: {  	p1 =	seq.s32 s10, $0x1;
	s10 =	sld [smem:$0x3FB4];
	_ =	sdelay $0x3  }
0x37: {  	[smem:$0x3FB4] =	sst s10  }
0x38: {  	s10 =	sld [smem:$0x3FB5]  }
0x39: {  	_ = 	snop;
	(pc) =	sbr.ind lr, $3  }
0x3a: {  	_ = 	snop  }
0x3b: {  	_ = 	snop  }
0x3c: {  	p2 =	seq.s32 s10, $0x1;
	s10 =	sld [smem:$0x3FB4]  }
0x3d: {  	_ =	shalt  }
0x3e: {  	_ =	shalt  }
0x3f: {  	_ =	shalt  }
0x40: {  	_ =	shalt  }
0x41: {  	_ =	shalt  }
0x42: {  	_ =	shalt  }
0x43: {  	_ =	shalt  }
0x44: {  	_ =	shalt  }
0x45: {  	_ =	shalt  }
0x46: {  	_ =	shalt  }
0x47: {  	_ =	shalt  }
0x48: {  	_ =	shalt  }
0x49: {  	_ =	shalt  }
0x4a: {  	_ =	shalt  }
0x4b: {  	_ =	shalt  }
0x4c: {  	_ =	shalt  }
0x4d: {  	_ =	shalt  }
0x4e: {  	_ =	shalt  }
0x4f: {  	_ =	shalt  }
0x50: {  	_ =	shalt  }
0x51: {  	_ =	shalt  }
0x52: {  	_ =	shalt  }
0x53: {  	_ =	shalt  }
0x54: {  	_ =	shalt  }
0x55: {  	_ =	shalt  }
0x56: {  	_ =	shalt  }
0x57: {  	_ =	shalt  }
0x58: {  	_ =	shalt  }
0x59: {  	_ =	shalt  }
0x5a: {  	_ =	shalt  }
0x5b: {  	_ =	shalt  }
0x5c: {  	_ =	shalt  }
0x5d: {  	_ =	shalt  }
0x5e: {  	_ =	shalt  }
0x5f: {  	_ =	shalt  }
0x60: {  	_ =	shalt  }
0x61: {  	_ =	shalt  }
0x62: {  	_ =	shalt  }
0x63: {  	_ =	shalt  }
0x64: {  	_ =	shalt  }
0x65: {  	_ =	shalt  }
0x66: {  	_ =	shalt  }
0x67: {  	_ =	shalt  }
0x68: {  	_ =	shalt  }
0x69: {  	_ =	shalt  }
0x6a: {  	_ =	shalt  }
0x6b: {  	_ =	shalt  }
0x6c: {  	_ =	shalt  }
0x6d: {  	_ =	shalt  }
0x6e: {  	_ =	shalt  }
0x6f: {  	_ =	shalt  }
0x70: {  	_ =	shalt  }
0x71: {  	_ =	shalt  }
0x72: {  	_ =	shalt  }
0x73: {  	_ =	shalt  }
0x74: {  	_ =	shalt  }
0x75: {  	_ =	shalt  }
0x76: {  	_ =	shalt  }
0x77: {  	_ =	shalt  }
0x78: {  	_ =	shalt  }
0x79: {  	_ =	shalt  }
0x7a: {  	_ =	shalt  }
0x7b: {  	_ =	shalt  }
0x7c: {  	_ =	shalt  }
0x7d: {  	_ =	shalt  }
0x7e: {  	_ =	shalt  }
0x7f: {  	_ =	shalt  }
0x80: {  	_ =	shalt  }
0x81: {  	_ =	shalt  }
0x82: {  	_ =	shalt  }
0x83: {  	_ =	shalt  }
0x84: {  	_ =	shalt  }
0x85: {  	_ =	shalt  }
0x86: {  	_ =	shalt  }
0x87: {  	_ =	shalt  }
.Lfunc_end0:
.L_simem_size_0:
called_computation.1_lowered:
.L_overlay_start_0:
0x88: {  	s2 =	sld [smem:$0x3FD9]  }
0x89: {  	s3 =	sld [smem:$0x3FFE];
	_ =	sdelay $0x1  }
0x8a: {  	s1 =	srdreg.scid  }
0x8b: {  	s0 =	sand.u32 $0x1, s1  }
0x8c: {  	s17 =	sshll.u32 s0, $0xA;
	s2 =	sadd.s32 s3, s2  }
0x8d: {  	s2 =	sadd.s32 s2, s17  }
0x8e: {  	[smem:$0x3FC0] =	sst s2  }
0x8f: {  	_ = 	snop  }
0x90: {  	s18 =	sld [smem:$0x3FD0];
	(tm) =	ssettm $0x1  }
0x91: {  	s19 =	sld [smem:$0x3FFB];
	_ =	sdelay $0x3  }
0x92: {  	_ =	strace s19  }
0x93: {  	s2 =	sld [smem:$0x3FFC];
	_ =	sdelay $0x3  }
0x94: {  	_ =	strace s2  }
0x95: {  	s2 =	sld [smem:$0x3FFD];
	_ =	sdelay $0x3  }
0x96: {  	_ =	strace s2  }
0x97: {  	_ =	strace $0x8FFFFFFF  }
0x98: {  	s20 =	sld [smem:$0x3FDB];
	_ =	sdelay $0x1  }
0x99: {  	s4 =	simm.s32 $_scs_section_size  }
0x9a: {  	s5 =	simm.s32 $_size__tile_overlayer_lowered;
	s6 =	simm.s32 $_tile_overlayer_lowered  }
0x9b: {  	s7 =	simm.s32 $0x1BFF;
	s21 =	sshll.u32 s6, $0x1;
	s4 =	sadd.s32 s4, s20  }
0x9c: {  	s22 =	simm.s32 $0x0;
	s5 =	sshll.u32 s5, $0x1;
	s6 =	sadd.s32 s21, s4  }
0x9d: {  	[timem:s22], [sflag:s7] =	dma.local [hbm:s6], s5  }
0x9e: {  	_ =	swait.ge [sflag:s7], s5  }
0x9f: {  	s5 =	ssub.s32 $0x0, s5;
	[sflag:s7] =	ssyncset.done $0x0  }
0xa0: {  	[sflag:s7] =	ssyncadd.s32 s5;
	_ =	sdelay $0x1  }
0xa1: {  	s23 =	simm.s32 $0x1B8B  }
0xa2: {  	_ =	swait.ge [sflag:s23], $0x1  }
0xa3: {  	[sflag:s23] =	ssyncset.done $0x0  }
0xa4: {  	[sflag:s23] =	ssyncadd.s32 $0xFFFFFFFF  }
0xa5: {  	s5 =	sld [smem:$0x0]  }
0xa6: {  	s6 =	sand.u32 $0xFFFFFFFE, s1  }
0xa7: {  	p0 =	sne.s32 s1, s6  }
0xa8: {  	s6 =	sshll.u32 @p0 s6, $0xE  }
0xa9: {  	s6 =	sadd.s32 @p0 $0x11B8D, s6;
	s7 =	sshll.u32 @p0 s5, $0x11  }
0xaa: {  	s6 =	sor.u32 @p0 s7, s6  }
0xab: {  	[sflag:s6] =	ssyncadd.remote.s32 @p0 $0x1;
	_ =	sdelay $0x1  }
0xac: {  	s6 =	simm.s32 @p0 $0x1B8D  }
0xad: {  	_ =	swait.eq @p0 [sflag:s6], $0x1  }
0xae: {  	[sflag:s6] =	ssyncadd.s32 @p0 $0xFFFFFFFF  }
0xaf: {  	s7 =	sshll.u32 @!p0 s1, $0xE  }
0xb0: {  	s7 =	sor.u32 @!p0 $0x4000, s7;
	s6 =	simm.s32 @!p0 $0x1B8D  }
0xb1: {  	s5 =	sshll.u32 @!p0 s5, $0x11;
	s7 =	sadd.s32 @!p0 $0x11B8D, s7;
	_ =	swait.eq @!p0 [sflag:s6], $0x1  }
0xb2: {  	s5 =	sor.u32 @!p0 s5, s7;
	[sflag:s6] =	ssyncadd.s32 @!p0 $0xFFFFFFFF  }
0xb3: {  	s25 =	simm.s32 $0x1B8E;
	s24 =	sld [smem:$0x3FFE];
	[sflag:s5] =	ssyncadd.remote.s32 @!p0 $0x1  }
0xb4: {  	s26 =	simm.s32 $execute0_lowered;
	[smem:$0x3FD2] =	sst s25  }
0xb5: {  	s6 =	sshll.u32 s26, $0x1;
	_ =	strace $0x80000049;
	[dreg:$0x1] =	wrdreg $0xFFFFFFFF  }
0xb6: {  	s28 =	simm.s32 $_size_execute0_lowered;
	s4 =	sadd.s32 s4, s6;
	[dreg:$0x0] =	wrdreg $0x0  }
0xb7: {  	s6 =	sshll.u32 s28, $0x1;
	[dreg:$0x2] =	wrdreg s4  }
0xb8: {  	[dreg:$0x3] =	wrdreg s6  }
0xb9: {  	[dreg:$0x4] =	wrdreg $0xC0  }
0xba: {  	_ =	task [dreg:s22], $0x5FFFF  }
0xbb: {  	[dreg:$0x1] =	wrdreg $0xFFFFFFFF  }
0xbc: {  	[dreg:$0x0] =	wrdreg $0x60  }
0xbd: {  	[dreg:$0x2] =	wrdreg s24  }
0xbe: {  	[dreg:$0x3] =	wrdreg s18  }
0xbf: {  	[dreg:$0x4] =	wrdreg $0xC3000  }
0xc0: {  	[dreg:$0x5] =	wrdreg $0xA  }
0xc1: {  	_ =	task.clear_ibuf [dreg:s22], $0x6FFFF;
	_ =	strace $0x90000049  }
0xc2: {  	s29 =	simm.s32 $0xA;
	_ =	strace $0x8000004B  }
0xc3: {  	_ =	swait.ge [sflag:s29], $0x1  }
0xc4: {  	[sflag:s29] =	ssyncadd.s32 $0xFFFFFFFF  }
0xc5: {  	_ =	strace $0x9000004B  }
0xc6: {  	_ =	sfence  }
0xc7: {  	s30 =	sld [smem:$0x0];
	_ =	sdelay $0x2  }
0xc8: {  	s31 =	sshll.u32 s1, $0xD;
	s1 =	sshrl.u32 s1, $0x2  }
0xc9: {  	s4 =	sand.u32 $0x4000, s31;
	s1 =	sadd.s32 s1, s30  }
0xca: {  	s0 =	sor.u32 s4, s0;
	s1 =	sshll.u32 s1, $0x11  }
0xcb: {  	s0 =	sor.u32 s1, s0  }
0xcc: {  	s0 =	sadd.s32 $0x8F2B, s0  }
0xcd: {  	[sflag:s0] =	ssyncadd.remote.s32 $0x1  }
0xce: {  	_ =	sfence.sel $0xFFFF  }
0xcf: {  	[dreg:$0x0] =	wrdreg $0xFFFFFFFF;
	(pc) =	sbr.abs _section_cstart, $3  }
0xd0: {  	[dreg:$0x1] =	wrdreg $0xFFFFFFFF  }
0xd1: {  	_ =	task.clear_ibuf [dreg:s22], $0x2FFFF;
	_ =	strace $0x9FFFFFFF  }
0xd2: {  	(tm) =	ssettm $0x7FFFFFFF  }
0xd3: {  	_ =	shalt  }
tec
execute0_lowered:
.L_overlay_start_1:
0x0: {  	(tag) =	ssettag $0x1  }
0x1: {  	s6 =	rddreg [dreg:$0x0]  }
0x2: {  	s8 =	rddreg [dreg:$0x1]  }
0x3: {  	s2 =	rddreg [dreg:$0x2]  }
0x4: {  	s0 =	rddreg [dreg:$0x3]  }
0x5: {  	s4 =	srdreg.scid;
	s1 =	stileid.u32;
	s3 =	simm.s32 $0x0  }
0x6: {  	s15 =	simm.s32 $0x1;
	s16 =	simm.s32 $0x80;
	s17 =	simm.s32 $0x300  }
0x7: {  	s18 =	simm.s32 $0x2;
	s19 =	simm.s32 $0x4300;
	s20 =	simm.s32 $0x8  }
0x8: {  	s21 =	simm.s32 $0x0;
	s7 =	sand.u32 $0x1, s4;
	s9 =	smul.u32 $0x2780, s1  }
0x9: {  	[smem:$0x7FF] =	sst s3;
	s4 =	sadd.s32 $0x2C00, s6;
	s12 =	smul.u32 $0x4F000, s1  }
0xa: {  	s5 =	sadd.s32 $0x2A400, s6;
	s30 =	sshll.u32 s1, $0x6;
	s14 =	smul.u32 $0xA00, s1  }
0xb: {  	s10 =	smul.u32 $0x27800, s7;
	_ =	strace $0x8000004A;
	s11 =	ssub.s32 $0x2, s7  }
0xc: {  	s25 =	sshll.u32 s7, $0x4;
	s29 =	smul.u32 $0xA000, s7;
	s26 =	sshrl.u32 s11, $0x1  }
0xd: {  	s28 =	sshrl.u32 s12, $0x2;
	s9 =	sadd.s32 s9, s10;
	s10 =	sor.u32 s1, s25  }
0xe: {  	s11 =	ssub.s32 s11, s26;
	s13 =	sadd.s32 s28, s2;
	s31 =	sadd.s32 s29, s8  }
0xf: {  	s9 =	sadd.s32 s9, s6;
	s10 =	smul.u32 $0xA00, s10;
	s6 =	sor.u32 $0x1C0A, s30  }
0x10: {  	s12 =	sadd.s32 s14, s31;
	s14 =	simm.s32 $0x100;
	s9 =	sadd.s32 $0x2CC00, s9  }
0x11: {  	s7 =	sadd.s32 s8, s10;
	s10 =	smax.u32 s11, $0x1;
	s11 =	sadd.s32 $0x40, s12  }
0x12: {  	s12 =	sshrl.u32 s13, $0x3;
	s13 =	simm.s32 $0xA;
	s8 =	sadd.s32 $0x20, s7  }
.LBB2_1:
0x13: {  	[spmem:s12], [sflag:s6] =	dma.local [hbm:s5], $0x2780  }
0x14: {  	_ =	swait.ge [sflag:s13], $0x2780  }
0x15: {  	[sflag:s13] =	ssyncset.done $0x0  }
0x16: {  	[sflag:s13] =	ssyncadd.s32 $0xFFFFD880  }
0x17: {  	[bflag:$0x0] =	sbarrier.arrive $0xFFFF  }
0x18: {  	[tilespmem:s3], [sflag:$0x1] =	stream.linear.gather [hbm4b:s7+s3], $0x100, $0x38;
	[tilespmem:$0x1FF00] =	vst v63  }
0x19: {  	_ = 	snop  }
0x1a: {  	[tilespmem:s14], [sflag:$0x2] =	stream.linear.gather [hbm4b:s8+s3], $0x100, $0x38;
	[tilespmem:$0x1FF00] =	vst v63  }
0x1b: {  	_ =	swait.ge [sflag:s15], $0x100  }
0x1c: {  	[sflag:s15] =	ssyncset.done $0x0  }
0x1d: {  	[sflag:s15] =	ssyncadd.s32 $0xFFFFFF00  }
0x1e: {  	[tilespmem:s17], [sflag:$0x4] =	stream.indirect.gather [hbm4b:s4+s16], $0x80, s3, s16, $0xb8;
	[tilespmem:$0x1FF00] =	vst v63  }
0x1f: {  	_ =	swait.ge [sflag:s18], $0x100  }
0x20: {  	[sflag:s18] =	ssyncset.done $0x0  }
0x21: {  	s22 =	smov.u32 s11;
	s23 =	simm.s32 $0x0;
	[sflag:s18] =	ssyncadd.s32 $0xFFFFFF00  }
0x22: {  	[tilespmem:s19], [sflag:$0x5] =	stream.indirect.gather [hbm4b:s4+s16], $0x80, s14, s16, $0xb8;
	[tilespmem:$0x1FF00] =	vst v63  }
.LBB2_2:
0x23: {  	s24 =	sadd.s32 $0x2, s23  }
0x24: {  	s25 =	sand.u32 $0xFF, s24  }
0x25: {  	s25 =	smul.u32 $0xAB, s25;
	_ =	sdelay $0x1  }
0x26: {  	s25 =	sshrl.u32 s25, $0x9  }
0x27: {  	s25 =	smul.u32 $0x3, s25;
	_ =	sdelay $0x1  }
0x28: {  	s24 =	ssub.s32 s24, s25  }
0x29: {  	p0 =	seq.s32 s23, $0x0;
	s24 =	sand.u32 $0xFF, s24  }
0x2a: {  	s25 =	sadd.s32 @!p0 $0x7, s24  }
0x2b: {  	p1 =	sgt.u32 @!p0 s23, $0x4D;
	_ =	swait.ge @!p0 [sflag:s25], $0x4000  }
0x2c: {  	s29 =	smul.u32 $0xAB, s23;
	p1 =	por p0, !p1;
	[sflag:s25] =	ssyncset.done @!p0 $0x0  }
0x2d: {  	s26 =	sadd.s32 @p1 $0x1, s24;
	[sflag:s25] =	ssyncadd.s32 @!p0 $0xFFFFC000;
	s25 =	sshll.u32 @p1 s24, $0x8  }
0x2e: {  	[tilespmem:s25], [sflag:s26] =	stream.linear.gather @p1 [hbm4b:s22+s3], $0x100, $0x38;
	[tilespmem:$0x1FF00] =	vst v63  }
0x2f: {  	s25 =	sshrl.u32 s29, $0x9  }
0x30: {  	s25 =	sand.u32 $0x7F, s25  }
0x31: {  	s25 =	smul.u32 $0x3, s25;
	_ =	sdelay $0x1  }
0x32: {  	s25 =	ssub.s32 s23, s25  }
0x33: {  	s25 =	sand.u32 $0xFF, s25  }
0x34: {  	p0 =	por @!p0 $0x0, $0x0;
	s30 =	sadd.s32 $0x4, s25  }
0x35: {  	p0 =	por @p1 $0x1, $0x1;
	s28 =	sshll.u32 s25, $0xE;
	_ =	swait.ge [sflag:s30], $0x4000  }
0x36: {  	s31 =	sshll.u32 s25, $0x8;
	s25 =	sadd.s32 $0x7, s25;
	[sflag:s30] =	ssyncset.done $0x0  }
0x37: {  	s28 =	sor.u32 $0x300, s28;
	s26 =	sor.u32 $0x80, s31;
	[sflag:s30] =	ssyncadd.s32 $0xFFFFC000  }
0x38: {  	[spmem:s2] =	stream.indirect.scatter.add.f32 [tilespmem:s28], [sflag:s25], $0x80, s26, s16, $0xb8;
	[tilespmem:$0x1FF00] =	vst v63  }
0x39: {  	s25 =	sadd.s32 @p0 $0x1, s24  }
0x3a: {  	_ =	swait.ge @p0 [sflag:s25], $0x100  }
0x3b: {  	s23 =	sadd.s32 $0x1, s23;
	[sflag:s25] =	ssyncset.done @p0 $0x0  }
0x3c: {  	s26 =	sshll.u32 @p0 s24, $0xE;
	s28 =	simm.s32 @p0 $0x80;
	[sflag:s25] =	ssyncadd.s32 @p0 $0xFFFFFF00  }
0x3d: {  	s25 =	sor.u32 @p0 $0x300, s26;
	s26 =	sshll.u32 @p0 s24, $0x8;
	s24 =	sadd.s32 @p0 $0x4, s24  }
0x3e: {  	[tilespmem:s25], [sflag:s24] =	stream.indirect.gather @p0 [hbm4b:s4+s28], $0x80, s26, s28, $0xb8;
	[tilespmem:$0x1FF00] =	vst v63  }
0x3f: {  	p0 =	sne.s32 s23, $0x50  }
.Ltmp0:
0x40: {  	_ = 	snop;
	(pc) =	sbr.rel @p0 .LBB2_2-.Ltmp0, $2  }
0x41: {  	_ =	sdelay $0x2  }
0x42: {  	s22 =	sadd.s32 $0x20, s22  }
0x43: {  	_ =	swait.ge [sflag:s20], $0x4000  }
0x44: {  	s21 =	sadd.s32 $0x1, s21;
	[sflag:s20] =	ssyncset.done $0x0  }
0x45: {  	p0 =	sne.s32 s21, s10;
	[sflag:s20] =	ssyncadd.s32 $0xFFFFC000  }
.Ltmp1:
0x46: {  	[bflag:$0x0] =	sbarrier.arrive $0xFFFF;
	(pc) =	sbr.rel @p0 .LBB2_1-.Ltmp1, $4  }
0x47: {  	[hbm:s9], [sflag:s6] =	dma.local [spmem:s12], $0x2780  }
0x48: {  	_ =	swait.ge [sflag:s13], $0x2780  }
0x49: {  	[sflag:s13] =	ssyncset.done $0x0  }
0x4a: {  	[sflag:s13] =	ssyncadd.s32 $0xFFFFD880  }
0x4b: {  	_ =	sfence.sel $0x180000  }
0x4c: {  	[bflag:$0x0] =	sbarrier.arrive $0xFFFF  }
0x4d: {  	p0 =	sne.s32 s1, $0x0;
	_ =	strace $0x9000004A  }
0x4e: {  	s0 =	sadd.s32 @!p0 $0x100000, s0;
	[bflag:$0x2] =	sbarrier.arrive $0xFFFF  }
0x4f: {  	[sflag:s0] =	ssyncadd.tile.s32 @!p0 $0x1;
	_ =	shalt  }
.Lfunc_end2:
_tile_overlayer_lowered:
.L_overlay_start_2:
0x50: {  	(tag) =	ssettag $0x2  }
0x51: {  	s0 =	rddreg [dreg:$0x0];
	s2 =	stileid.u32  }
0x52: {  	s1 =	rddreg [dreg:$0x1];
	p0 =	sne.s32 s2, $0x0  }
0x53: {  	s3 =	rddreg [dreg:$0x2];
	[bflag:$0x3] =	sbarrier.arrive $0xFFFF;
	s2 =	simm.s32 @!p0 $0x1C0A  }
0x54: {  	[timem:s3], [sflag:s2] =	dma.local @!p0 [hbm:s0], s1  }
0x55: {  	s0 =	simm.s32 @!p0 $0xA  }
0x56: {  	_ =	swait.ge @!p0 [sflag:s0], s1  }
0x57: {  	s1 =	ssub.s32 @!p0 $0x0, s1;
	[sflag:s0] =	ssyncset.done @!p0 $0x0  }
0x58: {  	[sflag:s0] =	ssyncadd.s32 @!p0 s1  }
0x59: {  	[bflag:$0x3] =	sbarrier.arrive $0xFFFF  }
0x5a: {  	_ =	shalt  }

// kernel: kernel.14.cloned.1.call-start
scs
__scs_entry_jumppad:
0x0: {  	(pc) =	sbr.rel $0x88, $3  }
0x1: {  	(tag) =	ssettag $0x0;
	lr =	simm.s32 $0x1  }
0x2: {  	[smem:$0x3F99] =	sst lr;
	_ =	strace $0xD0000000  }
0x3: {  	_ = 	snop  }
0x4: {  	_ = 	snop  }
0x5: {  	_ = 	snop  }
0x6: {  	_ = 	snop  }
0x7: {  	_ = 	snop  }
__scs_overlays_trampoline_lowered:
0x8: {  	[smem:$0x3FA8] =	sst s0  }
0x9: {  	[smem:$0x3FA9] =	sst s1  }
0xa: {  	[smem:$0x3FAA] =	sst s2  }
0xb: {  	[smem:$0x3FAB] =	sst s3  }
0xc: {  	[smem:$0x3FAC] =	sst s4  }
0xd: {  	[smem:$0x3FAD] =	sst s5  }
0xe: {  	[smem:$0x3FAE] =	sst s6  }
0xf: {  	[smem:$0x3FAF] =	sst s7  }
0x10: {  	[smem:$0x3FB0] =	sst s8  }
0x11: {  	[smem:$0x3FB1] =	sst s9;
	s0 =	simm.s32 @!p0 $0x0  }
0x12: {  	s1 =	sld [smem:$0x3F97];
	s0 =	simm.s32 @p0 $0x1  }
0x13: {  	[smem:$0x3FB2] =	sst s0;
	s0 =	simm.s32 @!p1 $0x0  }
0x14: {  	s2 =	sld [smem:$0x3F96];
	s0 =	simm.s32 @p1 $0x1  }
0x15: {  	[smem:$0x3FB3] =	sst s0;
	s0 =	simm.s32 @!p2 $0x0  }
0x16: {  	s3 =	sld [smem:$0x3FDB];
	s0 =	simm.s32 @p2 $0x1  }
0x17: {  	s4 =	simm.s32 $0x1BF5;
	[smem:$0x3FB5] =	sst s0  }
0x18: {  	s0 =	sld [smem:$0x3F98];
	_ =	swait.ge [sflag:s4], $0x0  }
0x19: {  	s7 =	sld [smem:$0x3F99]  }
0x1a: {  	s8 =	sadd.s32 $0xFFFFE003, lr  }
0x1b: {  	s9 =	sadd.s32 $0xFFFFFEF7, lr;
	s5 =	simm.s32 $0xFFFFFFFF;
	p2 =	slt.u32 s8, $0xFFFFF086  }
0x1c: {  	p1 =	slt.u32 s9, $0xF7A;
	s5 =	simm.s32 @!p2 $0x0  }
0x1d: {  	s5 =	simm.s32 @p1 $0x1;
	p0 =	seq.s32 s7, s2  }
0x1e: {  	s7 =	smul.u32 @!p0 $0xF7A, s2;
	p2 =	seq.s32 @!p0 s5, $0x0  }
0x1f: {  	s9 =	smul.u32 $0xF7A, s1;
	s8 =	simm.s32 @!p0 $0x1BF5;
	p2 =	por !p2, p0  }
0x20: {  	[sflag:s8] =	ssyncset.s32 @!p0 $0xFFFFF086;
	s6 =	sadd.s32 @!p0 s3, s7;
	s7 =	simm.s32 @!p0 $0x108  }
0x21: {  	s3 =	sadd.s32 s3, s9;
	s6 =	sadd.s32 @!p0 $0x88, s6;
	s7 =	simm.s32 @p2 $0x1082  }
0x22: {  	[simem:s7], [sflag:s8] =	dma.local @!p0 [hbm:s6], $0xF7A  }
0x23: {  	s9 =	sor.u32 $0xD0000000, s2;
	s6 =	simm.s32 $0x108;
	_ =	swait.ge @!p0 [sflag:s8], $0x0  }
0x24: {  	s3 =	sadd.s32 $0x88, s3;
	s6 =	simm.s32 @!p1 $0x1082;
	[sflag:s4] =	ssyncset.s32 $0xFFFFF086  }
0x25: {  	[simem:s6], [sflag:s4] =	dma.local [hbm:s3], $0xF7A  }
0x26: {  	[smem:$0x3F99] =	sst s1;
	(tag) =	ssettag s2;
	_ =	strace s9  }
0x27: {  	s1 =	sld [smem:$0x3FA9]  }
0x28: {  	s2 =	sld [smem:$0x3FAA]  }
0x29: {  	s4 =	sld [smem:$0x3FAC]  }
0x2a: {  	p0 =	seq.s32 s5, $0x0;
	s5 =	sld [smem:$0x3FAD]  }
0x2b: {  	s6 =	sld [smem:$0x3FAE]  }
0x2c: {  	s7 =	sld [smem:$0x3FAF]  }
0x2d: {  	s3 =	simm.s32 $0x108;
	s8 =	sld [smem:$0x3FB0]  }
0x2e: {  	s3 =	simm.s32 @!p0 $0x1082;
	s9 =	sld [smem:$0x3FB1]  }
0x2f: {  	lr =	sadd.s32 s0, s3;
	s0 =	sld [smem:$0x3FA8]  }
0x30: {  	s3 =	sld [smem:$0x3FAB]  }
0x31: {  	[smem:$0x3FB4] =	sst s10  }
0x32: {  	s10 =	sld [smem:$0x3FB2];
	_ =	sdelay $0x3  }
0x33: {  	p0 =	seq.s32 s10, $0x1;
	s10 =	sld [smem:$0x3FB4];
	_ =	sdelay $0x3  }
0x34: {  	[smem:$0x3FB4] =	sst s10  }
0x35: {  	s10 =	sld [smem:$0x3FB3];
	_ =	sdelay $0x3  }
0x36: {  	p1 =	seq.s32 s10, $0x1;
	s10 =	sld [smem:$0x3FB4];
	_ =	sdelay $0x3  }
0x37: {  	[smem:$0x3FB4] =	sst s10  }
0x38: {  	s10 =	sld [smem:$0x3FB5]  }
0x39: {  	_ = 	snop;
	(pc) =	sbr.ind lr, $3  }
0x3a: {  	_ = 	snop  }
0x3b: {  	_ = 	snop  }
0x3c: {  	p2 =	seq.s32 s10, $0x1;
	s10 =	sld [smem:$0x3FB4]  }
0x3d: {  	_ =	shalt  }
0x3e: {  	_ =	shalt  }
0x3f: {  	_ =	shalt  }
0x40: {  	_ =	shalt  }
0x41: {  	_ =	shalt  }
0x42: {  	_ =	shalt  }
0x43: {  	_ =	shalt  }
0x44: {  	_ =	shalt  }
0x45: {  	_ =	shalt  }
0x46: {  	_ =	shalt  }
0x47: {  	_ =	shalt  }
0x48: {  	_ =	shalt  }
0x49: {  	_ =	shalt  }
0x4a: {  	_ =	shalt  }
0x4b: {  	_ =	shalt  }
0x4c: {  	_ =	shalt  }
0x4d: {  	_ =	shalt  }
0x4e: {  	_ =	shalt  }
0x4f: {  	_ =	shalt  }
0x50: {  	_ =	shalt  }
0x51: {  	_ =	shalt  }
0x52: {  	_ =	shalt  }
0x53: {  	_ =	shalt  }
0x54: {  	_ =	shalt  }
0x55: {  	_ =	shalt  }
0x56: {  	_ =	shalt  }
0x57: {  	_ =	shalt  }
0x58: {  	_ =	shalt  }
0x59: {  	_ =	shalt  }
0x5a: {  	_ =	shalt  }
0x5b: {  	_ =	shalt  }
0x5c: {  	_ =	shalt  }
0x5d: {  	_ =	shalt  }
0x5e: {  	_ =	shalt  }
0x5f: {  	_ =	shalt  }
0x60: {  	_ =	shalt  }
0x61: {  	_ =	shalt  }
0x62: {  	_ =	shalt  }
0x63: {  	_ =	shalt  }
0x64: {  	_ =	shalt  }
0x65: {  	_ =	shalt  }
0x66: {  	_ =	shalt  }
0x67: {  	_ =	shalt  }
0x68: {  	_ =	shalt  }
0x69: {  	_ =	shalt  }
0x6a: {  	_ =	shalt  }
0x6b: {  	_ =	shalt  }
0x6c: {  	_ =	shalt  }
0x6d: {  	_ =	shalt  }
0x6e: {  	_ =	shalt  }
0x6f: {  	_ =	shalt  }
0x70: {  	_ =	shalt  }
0x71: {  	_ =	shalt  }
0x72: {  	_ =	shalt  }
0x73: {  	_ =	shalt  }
0x74: {  	_ =	shalt  }
0x75: {  	_ =	shalt  }
0x76: {  	_ =	shalt  }
0x77: {  	_ =	shalt  }
0x78: {  	_ =	shalt  }
0x79: {  	_ =	shalt  }
0x7a: {  	_ =	shalt  }
0x7b: {  	_ =	shalt  }
0x7c: {  	_ =	shalt  }
0x7d: {  	_ =	shalt  }
0x7e: {  	_ =	shalt  }
0x7f: {  	_ =	shalt  }
0x80: {  	_ =	shalt  }
0x81: {  	_ =	shalt  }
0x82: {  	_ =	shalt  }
0x83: {  	_ =	shalt  }
0x84: {  	_ =	shalt  }
0x85: {  	_ =	shalt  }
0x86: {  	_ =	shalt  }
0x87: {  	_ =	shalt  }
.Lfunc_end0:
.L_simem_size_0:
called_computation.2_lowered:
.L_overlay_start_0:
0x88: {  	s2 =	sld [smem:$0x3FD9]  }
0x89: {  	s3 =	sld [smem:$0x3FFE];
	_ =	sdelay $0x1  }
0x8a: {  	s1 =	srdreg.scid  }
0x8b: {  	s0 =	sand.u32 $0x1, s1  }
0x8c: {  	s17 =	sshll.u32 s0, $0xA;
	s2 =	sadd.s32 s3, s2  }
0x8d: {  	s2 =	sadd.s32 s2, s17  }
0x8e: {  	[smem:$0x3FC0] =	sst s2  }
0x8f: {  	_ = 	snop  }
0x90: {  	s2 =	sld [smem:$0x3FD0];
	(tm) =	ssettm $0x1  }
0x91: {  	s18 =	sld [smem:$0x3FFB];
	_ =	sdelay $0x3  }
0x92: {  	_ =	strace s18  }
0x93: {  	s3 =	sld [smem:$0x3FFC];
	_ =	sdelay $0x3  }
0x94: {  	_ =	strace s3  }
0x95: {  	s3 =	sld [smem:$0x3FFD];
	_ =	sdelay $0x3  }
0x96: {  	_ =	strace s3  }
0x97: {  	_ =	strace $0x8FFFFFFF  }
0x98: {  	s19 =	sld [smem:$0x3FDB];
	_ =	sdelay $0x1  }
0x99: {  	s4 =	simm.s32 $_scs_section_size  }
0x9a: {  	s5 =	simm.s32 $_size__tile_overlayer_lowered;
	s6 =	simm.s32 $_tile_overlayer_lowered  }
0x9b: {  	s22 =	simm.s32 $0x1BFF;
	s21 =	sshll.u32 s6, $0x1;
	s3 =	sadd.s32 s4, s19  }
0x9c: {  	s7 =	simm.s32 $0x0;
	s20 =	sshll.u32 s5, $0x1;
	s5 =	sadd.s32 s21, s3  }
0x9d: {  	[timem:s7], [sflag:s22] =	dma.local [hbm:s5], s20  }
0x9e: {  	_ =	swait.ge [sflag:s22], s20  }
0x9f: {  	s4 =	ssub.s32 $0x0, s20;
	[sflag:s22] =	ssyncset.done $0x0  }
0xa0: {  	[sflag:s22] =	ssyncadd.s32 s4;
	_ =	sdelay $0x1  }
0xa1: {  	s23 =	simm.s32 $0x1B8B  }
0xa2: {  	_ =	swait.ge [sflag:s23], $0x1  }
0xa3: {  	[sflag:s23] =	ssyncset.done $0x0  }
0xa4: {  	s25 =	simm.s32 $0x1B8E;
	s24 =	sld [smem:$0x3FFE];
	[sflag:s23] =	ssyncadd.s32 $0xFFFFFFFF  }
0xa5: {  	s26 =	simm.s32 $execute0_lowered;
	[smem:$0x3FD2] =	sst s25  }
0xa6: {  	s5 =	sshll.u32 s26, $0x1;
	_ =	strace $0x8000004C;
	[dreg:$0x1] =	wrdreg $0xFFFFFFFF  }
0xa7: {  	s28 =	simm.s32 $_size_execute0_lowered;
	s3 =	sadd.s32 s3, s5;
	[dreg:$0x0] =	wrdreg $0x0  }
0xa8: {  	s5 =	sshll.u32 s28, $0x1;
	[dreg:$0x2] =	wrdreg s3  }
0xa9: {  	[dreg:$0x3] =	wrdreg s5  }
0xaa: {  	[dreg:$0x4] =	wrdreg $0xC0  }
0xab: {  	_ =	task [dreg:s7], $0x5FFFF  }
0xac: {  	[dreg:$0x1] =	wrdreg $0xFFFFFFFF  }
0xad: {  	[dreg:$0x0] =	wrdreg $0x60  }
0xae: {  	[dreg:$0x2] =	wrdreg s24  }
0xaf: {  	[dreg:$0x3] =	wrdreg s2  }
0xb0: {  	[dreg:$0x4] =	wrdreg $0xC3000  }
0xb1: {  	[dreg:$0x5] =	wrdreg $0x9  }
0xb2: {  	_ =	task.clear_ibuf [dreg:s7], $0x6FFFF;
	_ =	strace $0x9000004C  }
0xb3: {  	s29 =	simm.s32 $0x9;
	_ =	strace $0x8000004E  }
0xb4: {  	_ =	swait.ge [sflag:s29], $0x1  }
0xb5: {  	[sflag:s29] =	ssyncadd.s32 $0xFFFFFFFF  }
0xb6: {  	_ =	strace $0x9000004E  }
0xb7: {  	_ =	sfence  }
0xb8: {  	s30 =	sld [smem:$0x0];
	_ =	sdelay $0x2  }
0xb9: {  	s31 =	sshll.u32 s1, $0xD;
	s1 =	sshrl.u32 s1, $0x2  }
0xba: {  	s3 =	sand.u32 $0x4000, s31;
	s1 =	sadd.s32 s1, s30  }
0xbb: {  	s0 =	sor.u32 s3, s0;
	s1 =	sshll.u32 s1, $0x11  }
0xbc: {  	s0 =	sor.u32 s1, s0  }
0xbd: {  	s0 =	sadd.s32 $0x8F2B, s0  }
0xbe: {  	[sflag:s0] =	ssyncadd.remote.s32 $0x1  }
0xbf: {  	_ =	sfence.sel $0xFFFF  }
0xc0: {  	[dreg:$0x0] =	wrdreg $0xFFFFFFFF;
	(pc) =	sbr.abs _section_cstart, $3  }
0xc1: {  	[dreg:$0x1] =	wrdreg $0xFFFFFFFF  }
0xc2: {  	_ =	task.clear_ibuf [dreg:s7], $0x2FFFF;
	_ =	strace $0x9FFFFFFF  }
0xc3: {  	(tm) =	ssettm $0x7FFFFFFF  }
tec
execute0_lowered:
.L_overlay_start_1:
0x0: {  	(tag) =	ssettag $0x1  }
0x1: {  	s6 =	rddreg [dreg:$0x0]  }
0x2: {  	s8 =	rddreg [dreg:$0x1]  }
0x3: {  	s2 =	rddreg [dreg:$0x2]  }
0x4: {  	s0 =	rddreg [dreg:$0x3]  }
0x5: {  	s4 =	srdreg.scid;
	s1 =	stileid.u32;
	s3 =	simm.s32 $0x0  }
0x6: {  	s15 =	simm.s32 $0x1;
	s16 =	simm.s32 $0x80;
	s17 =	simm.s32 $0x300  }
0x7: {  	s18 =	simm.s32 $0x2;
	s19 =	simm.s32 $0x4300;
	s20 =	simm.s32 $0x8  }
0x8: {  	s21 =	simm.s32 $0x0;
	s7 =	sand.u32 $0x1, s4;
	s9 =	smul.u32 $0x2780, s1  }
0x9: {  	[smem:$0x7FF] =	sst s3;
	s4 =	sadd.s32 $0x1E00, s6;
	s12 =	smul.u32 $0x4F000, s1  }
0xa: {  	s5 =	sadd.s32 $0x2A400, s6;
	s30 =	sshll.u32 s1, $0x6;
	s14 =	smul.u32 $0xA00, s1  }
0xb: {  	s10 =	smul.u32 $0x27800, s7;
	_ =	strace $0x8000004D;
	s11 =	ssub.s32 $0x2, s7  }
0xc: {  	s25 =	sshll.u32 s7, $0x4;
	s29 =	smul.u32 $0xA000, s7;
	s26 =	sshrl.u32 s11, $0x1  }
0xd: {  	s28 =	sshrl.u32 s12, $0x2;
	s9 =	sadd.s32 s9, s10;
	s10 =	sor.u32 s1, s25  }
0xe: {  	s11 =	ssub.s32 s11, s26;
	s13 =	sadd.s32 s28, s2;
	s31 =	sadd.s32 s29, s8  }
0xf: {  	s9 =	sadd.s32 s9, s6;
	s10 =	smul.u32 $0xA00, s10;
	s6 =	sor.u32 $0x1C0A, s30  }
0x10: {  	s12 =	sadd.s32 s14, s31;
	s14 =	simm.s32 $0x100;
	s9 =	sadd.s32 $0x2CC00, s9  }
0x11: {  	s7 =	sadd.s32 s8, s10;
	s10 =	smax.u32 s11, $0x1;
	s11 =	sadd.s32 $0x40, s12  }
0x12: {  	s12 =	sshrl.u32 s13, $0x3;
	s13 =	simm.s32 $0xA;
	s8 =	sadd.s32 $0x20, s7  }
.LBB2_1:
0x13: {  	[spmem:s12], [sflag:s6] =	dma.local [hbm:s5], $0x2780  }
0x14: {  	_ =	swait.ge [sflag:s13], $0x2780  }
0x15: {  	[sflag:s13] =	ssyncset.done $0x0  }
0x16: {  	[sflag:s13] =	ssyncadd.s32 $0xFFFFD880  }
0x17: {  	[bflag:$0x0] =	sbarrier.arrive $0xFFFF  }
0x18: {  	[tilespmem:s3], [sflag:$0x1] =	stream.linear.gather [hbm4b:s7+s3], $0x100, $0x38;
	[tilespmem:$0x1FF00] =	vst v63  }
0x19: {  	_ = 	snop  }
0x1a: {  	[tilespmem:s14], [sflag:$0x2] =	stream.linear.gather [hbm4b:s8+s3], $0x100, $0x38;
	[tilespmem:$0x1FF00] =	vst v63  }
0x1b: {  	_ =	swait.ge [sflag:s15], $0x100  }
0x1c: {  	[sflag:s15] =	ssyncset.done $0x0  }
0x1d: {  	[sflag:s15] =	ssyncadd.s32 $0xFFFFFF00  }
0x1e: {  	[tilespmem:s17], [sflag:$0x4] =	stream.indirect.gather [hbm4b:s4+s16], $0x80, s3, s16, $0xb8;
	[tilespmem:$0x1FF00] =	vst v63  }
0x1f: {  	_ =	swait.ge [sflag:s18], $0x100  }
0x20: {  	[sflag:s18] =	ssyncset.done $0x0  }
0x21: {  	s22 =	smov.u32 s11;
	s23 =	simm.s32 $0x0;
	[sflag:s18] =	ssyncadd.s32 $0xFFFFFF00  }
0x22: {  	[tilespmem:s19], [sflag:$0x5] =	stream.indirect.gather [hbm4b:s4+s16], $0x80, s14, s16, $0xb8;
	[tilespmem:$0x1FF00] =	vst v63  }
.LBB2_2:
0x23: {  	s24 =	sadd.s32 $0x2, s23  }
0x24: {  	s25 =	sand.u32 $0xFF, s24  }
0x25: {  	s25 =	smul.u32 $0xAB, s25;
	_ =	sdelay $0x1  }
0x26: {  	s25 =	sshrl.u32 s25, $0x9  }
0x27: {  	s25 =	smul.u32 $0x3, s25;
	_ =	sdelay $0x1  }
0x28: {  	s24 =	ssub.s32 s24, s25  }
0x29: {  	p0 =	seq.s32 s23, $0x0;
	s24 =	sand.u32 $0xFF, s24  }
0x2a: {  	s25 =	sadd.s32 @!p0 $0x7, s24  }
0x2b: {  	p1 =	sgt.u32 @!p0 s23, $0x4D;
	_ =	swait.ge @!p0 [sflag:s25], $0x4000  }
0x2c: {  	s29 =	smul.u32 $0xAB, s23;
	p1 =	por p0, !p1;
	[sflag:s25] =	ssyncset.done @!p0 $0x0  }
0x2d: {  	s26 =	sadd.s32 @p1 $0x1, s24;
	[sflag:s25] =	ssyncadd.s32 @!p0 $0xFFFFC000;
	s25 =	sshll.u32 @p1 s24, $0x8  }
0x2e: {  	[tilespmem:s25], [sflag:s26] =	stream.linear.gather @p1 [hbm4b:s22+s3], $0x100, $0x38;
	[tilespmem:$0x1FF00] =	vst v63  }
0x2f: {  	s25 =	sshrl.u32 s29, $0x9  }
0x30: {  	s25 =	sand.u32 $0x7F, s25  }
0x31: {  	s25 =	smul.u32 $0x3, s25;
	_ =	sdelay $0x1  }
0x32: {  	s25 =	ssub.s32 s23, s25  }
0x33: {  	s25 =	sand.u32 $0xFF, s25  }
0x34: {  	p0 =	por @!p0 $0x0, $0x0;
	s30 =	sadd.s32 $0x4, s25  }
0x35: {  	p0 =	por @p1 $0x1, $0x1;
	s28 =	sshll.u32 s25, $0xE;
	_ =	swait.ge [sflag:s30], $0x4000  }
0x36: {  	s31 =	sshll.u32 s25, $0x8;
	s25 =	sadd.s32 $0x7, s25;
	[sflag:s30] =	ssyncset.done $0x0  }
0x37: {  	s28 =	sor.u32 $0x300, s28;
	s26 =	sor.u32 $0x80, s31;
	[sflag:s30] =	ssyncadd.s32 $0xFFFFC000  }
0x38: {  	[spmem:s2] =	stream.indirect.scatter.add.f32 [tilespmem:s28], [sflag:s25], $0x80, s26, s16, $0xb8;
	[tilespmem:$0x1FF00] =	vst v63  }
0x39: {  	s25 =	sadd.s32 @p0 $0x1, s24  }
0x3a: {  	_ =	swait.ge @p0 [sflag:s25], $0x100  }
0x3b: {  	s23 =	sadd.s32 $0x1, s23;
	[sflag:s25] =	ssyncset.done @p0 $0x0  }
0x3c: {  	s26 =	sshll.u32 @p0 s24, $0xE;
	s28 =	simm.s32 @p0 $0x80;
	[sflag:s25] =	ssyncadd.s32 @p0 $0xFFFFFF00  }
0x3d: {  	s25 =	sor.u32 @p0 $0x300, s26;
	s26 =	sshll.u32 @p0 s24, $0x8;
	s24 =	sadd.s32 @p0 $0x4, s24  }
0x3e: {  	[tilespmem:s25], [sflag:s24] =	stream.indirect.gather @p0 [hbm4b:s4+s28], $0x80, s26, s28, $0xb8;
	[tilespmem:$0x1FF00] =	vst v63  }
0x3f: {  	p0 =	sne.s32 s23, $0x50  }
.Ltmp0:
0x40: {  	_ = 	snop;
	(pc) =	sbr.rel @p0 .LBB2_2-.Ltmp0, $2  }
0x41: {  	_ =	sdelay $0x2  }
0x42: {  	s22 =	sadd.s32 $0x20, s22  }
0x43: {  	_ =	swait.ge [sflag:s20], $0x4000  }
0x44: {  	s21 =	sadd.s32 $0x1, s21;
	[sflag:s20] =	ssyncset.done $0x0  }
0x45: {  	p0 =	sne.s32 s21, s10;
	[sflag:s20] =	ssyncadd.s32 $0xFFFFC000  }
.Ltmp1:
0x46: {  	[bflag:$0x0] =	sbarrier.arrive $0xFFFF;
	(pc) =	sbr.rel @p0 .LBB2_1-.Ltmp1, $4  }
0x47: {  	[hbm:s9], [sflag:s6] =	dma.local [spmem:s12], $0x2780  }
0x48: {  	_ =	swait.ge [sflag:s13], $0x2780  }
0x49: {  	[sflag:s13] =	ssyncset.done $0x0  }
0x4a: {  	[sflag:s13] =	ssyncadd.s32 $0xFFFFD880  }
0x4b: {  	_ =	sfence.sel $0x180000  }
0x4c: {  	[bflag:$0x0] =	sbarrier.arrive $0xFFFF  }
0x4d: {  	p0 =	sne.s32 s1, $0x0;
	_ =	strace $0x9000004D  }
0x4e: {  	s0 =	sadd.s32 @!p0 $0x100000, s0;
	[bflag:$0x2] =	sbarrier.arrive $0xFFFF  }
0x4f: {  	[sflag:s0] =	ssyncadd.tile.s32 @!p0 $0x1;
	_ =	shalt  }
.Lfunc_end2:
_tile_overlayer_lowered:
.L_overlay_start_2:
0x50: {  	(tag) =	ssettag $0x2  }
0x51: {  	s0 =	rddreg [dreg:$0x0];
	s2 =	stileid.u32  }
0x52: {  	s1 =	rddreg [dreg:$0x1];
	p0 =	sne.s32 s2, $0x0  }
0x53: {  	s3 =	rddreg [dreg:$0x2];
	[bflag:$0x3] =	sbarrier.arrive $0xFFFF;
	s2 =	simm.s32 @!p0 $0x1C0A  }
0x54: {  	[timem:s3], [sflag:s2] =	dma.local @!p0 [hbm:s0], s1  }
0x55: {  	s0 =	simm.s32 @!p0 $0xA  }
0x56: {  	_ =	swait.ge @!p0 [sflag:s0], s1  }
0x57: {  	s1 =	ssub.s32 @!p0 $0x0, s1;
	[sflag:s0] =	ssyncset.done @!p0 $0x0  }
0x58: {  	[sflag:s0] =	ssyncadd.s32 @!p0 s1  }
0x59: {  	[bflag:$0x3] =	sbarrier.arrive $0xFFFF  }
0x5a: {  	_ =	shalt  }

// kernel: kernel.8.cloned.1.call-start
scs
__scs_entry_jumppad:
0x0: {  	(pc) =	sbr.rel $0x88, $3  }
0x1: {  	(tag) =	ssettag $0x0;
	lr =	simm.s32 $0x1  }
0x2: {  	[smem:$0x3F99] =	sst lr;
	_ =	strace $0xD0000000  }
0x3: {  	_ = 	snop  }
0x4: {  	_ = 	snop  }
0x5: {  	_ = 	snop  }
0x6: {  	_ = 	snop  }
0x7: {  	_ = 	snop  }
__scs_overlays_trampoline_lowered:
0x8: {  	[smem:$0x3FA8] =	sst s0  }
0x9: {  	[smem:$0x3FA9] =	sst s1  }
0xa: {  	[smem:$0x3FAA] =	sst s2  }
0xb: {  	[smem:$0x3FAB] =	sst s3  }
0xc: {  	[smem:$0x3FAC] =	sst s4  }
0xd: {  	[smem:$0x3FAD] =	sst s5  }
0xe: {  	[smem:$0x3FAE] =	sst s6  }
0xf: {  	[smem:$0x3FAF] =	sst s7  }
0x10: {  	[smem:$0x3FB0] =	sst s8  }
0x11: {  	[smem:$0x3FB1] =	sst s9;
	s0 =	simm.s32 @!p0 $0x0  }
0x12: {  	s1 =	sld [smem:$0x3F97];
	s0 =	simm.s32 @p0 $0x1  }
0x13: {  	[smem:$0x3FB2] =	sst s0;
	s0 =	simm.s32 @!p1 $0x0  }
0x14: {  	s2 =	sld [smem:$0x3F96];
	s0 =	simm.s32 @p1 $0x1  }
0x15: {  	[smem:$0x3FB3] =	sst s0;
	s0 =	simm.s32 @!p2 $0x0  }
0x16: {  	s3 =	sld [smem:$0x3FDB];
	s0 =	simm.s32 @p2 $0x1  }
0x17: {  	s4 =	simm.s32 $0x1BF5;
	[smem:$0x3FB5] =	sst s0  }
0x18: {  	s0 =	sld [smem:$0x3F98];
	_ =	swait.ge [sflag:s4], $0x0  }
0x19: {  	s7 =	sld [smem:$0x3F99]  }
0x1a: {  	s8 =	sadd.s32 $0xFFFFE003, lr  }
0x1b: {  	s9 =	sadd.s32 $0xFFFFFEF7, lr;
	s5 =	simm.s32 $0xFFFFFFFF;
	p2 =	slt.u32 s8, $0xFFFFF086  }
0x1c: {  	p1 =	slt.u32 s9, $0xF7A;
	s5 =	simm.s32 @!p2 $0x0  }
0x1d: {  	s5 =	simm.s32 @p1 $0x1;
	p0 =	seq.s32 s7, s2  }
0x1e: {  	s7 =	smul.u32 @!p0 $0xF7A, s2;
	p2 =	seq.s32 @!p0 s5, $0x0  }
0x1f: {  	s9 =	smul.u32 $0xF7A, s1;
	s8 =	simm.s32 @!p0 $0x1BF5;
	p2 =	por !p2, p0  }
0x20: {  	[sflag:s8] =	ssyncset.s32 @!p0 $0xFFFFF086;
	s6 =	sadd.s32 @!p0 s3, s7;
	s7 =	simm.s32 @!p0 $0x108  }
0x21: {  	s3 =	sadd.s32 s3, s9;
	s6 =	sadd.s32 @!p0 $0x88, s6;
	s7 =	simm.s32 @p2 $0x1082  }
0x22: {  	[simem:s7], [sflag:s8] =	dma.local @!p0 [hbm:s6], $0xF7A  }
0x23: {  	s9 =	sor.u32 $0xD0000000, s2;
	s6 =	simm.s32 $0x108;
	_ =	swait.ge @!p0 [sflag:s8], $0x0  }
0x24: {  	s3 =	sadd.s32 $0x88, s3;
	s6 =	simm.s32 @!p1 $0x1082;
	[sflag:s4] =	ssyncset.s32 $0xFFFFF086  }
0x25: {  	[simem:s6], [sflag:s4] =	dma.local [hbm:s3], $0xF7A  }
0x26: {  	[smem:$0x3F99] =	sst s1;
	(tag) =	ssettag s2;
	_ =	strace s9  }
0x27: {  	s1 =	sld [smem:$0x3FA9]  }
0x28: {  	s2 =	sld [smem:$0x3FAA]  }
0x29: {  	s4 =	sld [smem:$0x3FAC]  }
0x2a: {  	p0 =	seq.s32 s5, $0x0;
	s5 =	sld [smem:$0x3FAD]  }
0x2b: {  	s6 =	sld [smem:$0x3FAE]  }
0x2c: {  	s7 =	sld [smem:$0x3FAF]  }
0x2d: {  	s3 =	simm.s32 $0x108;
	s8 =	sld [smem:$0x3FB0]  }
0x2e: {  	s3 =	simm.s32 @!p0 $0x1082;
	s9 =	sld [smem:$0x3FB1]  }
0x2f: {  	lr =	sadd.s32 s0, s3;
	s0 =	sld [smem:$0x3FA8]  }
0x30: {  	s3 =	sld [smem:$0x3FAB]  }
0x31: {  	[smem:$0x3FB4] =	sst s10  }
0x32: {  	s10 =	sld [smem:$0x3FB2];
	_ =	sdelay $0x3  }
0x33: {  	p0 =	seq.s32 s10, $0x1;
	s10 =	sld [smem:$0x3FB4];
	_ =	sdelay $0x3  }
0x34: {  	[smem:$0x3FB4] =	sst s10  }
0x35: {  	s10 =	sld [smem:$0x3FB3];
	_ =	sdelay $0x3  }
0x36: {  	p1 =	seq.s32 s10, $0x1;
	s10 =	sld [smem:$0x3FB4];
	_ =	sdelay $0x3  }
0x37: {  	[smem:$0x3FB4] =	sst s10  }
0x38: {  	s10 =	sld [smem:$0x3FB5]  }
0x39: {  	_ = 	snop;
	(pc) =	sbr.ind lr, $3  }
0x3a: {  	_ = 	snop  }
0x3b: {  	_ = 	snop  }
0x3c: {  	p2 =	seq.s32 s10, $0x1;
	s10 =	sld [smem:$0x3FB4]  }
0x3d: {  	_ =	shalt  }
0x3e: {  	_ =	shalt  }
0x3f: {  	_ =	shalt  }
0x40: {  	_ =	shalt  }
0x41: {  	_ =	shalt  }
0x42: {  	_ =	shalt  }
0x43: {  	_ =	shalt  }
0x44: {  	_ =	shalt  }
0x45: {  	_ =	shalt  }
0x46: {  	_ =	shalt  }
0x47: {  	_ =	shalt  }
0x48: {  	_ =	shalt  }
0x49: {  	_ =	shalt  }
0x4a: {  	_ =	shalt  }
0x4b: {  	_ =	shalt  }
0x4c: {  	_ =	shalt  }
0x4d: {  	_ =	shalt  }
0x4e: {  	_ =	shalt  }
0x4f: {  	_ =	shalt  }
0x50: {  	_ =	shalt  }
0x51: {  	_ =	shalt  }
0x52: {  	_ =	shalt  }
0x53: {  	_ =	shalt  }
0x54: {  	_ =	shalt  }
0x55: {  	_ =	shalt  }
0x56: {  	_ =	shalt  }
0x57: {  	_ =	shalt  }
0x58: {  	_ =	shalt  }
0x59: {  	_ =	shalt  }
0x5a: {  	_ =	shalt  }
0x5b: {  	_ =	shalt  }
0x5c: {  	_ =	shalt  }
0x5d: {  	_ =	shalt  }
0x5e: {  	_ =	shalt  }
0x5f: {  	_ =	shalt  }
0x60: {  	_ =	shalt  }
0x61: {  	_ =	shalt  }
0x62: {  	_ =	shalt  }
0x63: {  	_ =	shalt  }
0x64: {  	_ =	shalt  }
0x65: {  	_ =	shalt  }
0x66: {  	_ =	shalt  }
0x67: {  	_ =	shalt  }
0x68: {  	_ =	shalt  }
0x69: {  	_ =	shalt  }
0x6a: {  	_ =	shalt  }
0x6b: {  	_ =	shalt  }
0x6c: {  	_ =	shalt  }
0x6d: {  	_ =	shalt  }
0x6e: {  	_ =	shalt  }
0x6f: {  	_ =	shalt  }
0x70: {  	_ =	shalt  }
0x71: {  	_ =	shalt  }
0x72: {  	_ =	shalt  }
0x73: {  	_ =	shalt  }
0x74: {  	_ =	shalt  }
0x75: {  	_ =	shalt  }
0x76: {  	_ =	shalt  }
0x77: {  	_ =	shalt  }
0x78: {  	_ =	shalt  }
0x79: {  	_ =	shalt  }
0x7a: {  	_ =	shalt  }
0x7b: {  	_ =	shalt  }
0x7c: {  	_ =	shalt  }
0x7d: {  	_ =	shalt  }
0x7e: {  	_ =	shalt  }
0x7f: {  	_ =	shalt  }
0x80: {  	_ =	shalt  }
0x81: {  	_ =	shalt  }
0x82: {  	_ =	shalt  }
0x83: {  	_ =	shalt  }
0x84: {  	_ =	shalt  }
0x85: {  	_ =	shalt  }
0x86: {  	_ =	shalt  }
0x87: {  	_ =	shalt  }
.Lfunc_end0:
.L_simem_size_0:
called_computation_lowered:
.L_overlay_start_0:
0x88: {  	s2 =	sld [smem:$0x3FD9]  }
0x89: {  	s3 =	sld [smem:$0x3FFE];
	_ =	sdelay $0x1  }
0x8a: {  	s1 =	srdreg.scid  }
0x8b: {  	s0 =	sand.u32 $0x1, s1  }
0x8c: {  	s17 =	sshll.u32 s0, $0xA;
	s2 =	sadd.s32 s3, s2  }
0x8d: {  	s2 =	sadd.s32 s2, s17  }
0x8e: {  	[smem:$0x3FC0] =	sst s2  }
0x8f: {  	_ = 	snop  }
0x90: {  	s2 =	sld [smem:$0x3FD0];
	(tm) =	ssettm $0x1  }
0x91: {  	s18 =	sld [smem:$0x3FFB];
	_ =	sdelay $0x3  }
0x92: {  	_ =	strace s18  }
0x93: {  	s3 =	sld [smem:$0x3FFC];
	_ =	sdelay $0x3  }
0x94: {  	_ =	strace s3  }
0x95: {  	s3 =	sld [smem:$0x3FFD];
	_ =	sdelay $0x3  }
0x96: {  	_ =	strace s3  }
0x97: {  	_ =	strace $0x8FFFFFFF  }
0x98: {  	s19 =	sld [smem:$0x3FDB];
	_ =	sdelay $0x1  }
0x99: {  	s4 =	simm.s32 $_scs_section_size  }
0x9a: {  	s5 =	simm.s32 $_size__tile_overlayer_lowered;
	s6 =	simm.s32 $_tile_overlayer_lowered  }
0x9b: {  	s22 =	simm.s32 $0x1BFF;
	s21 =	sshll.u32 s6, $0x1;
	s3 =	sadd.s32 s4, s19  }
0x9c: {  	s7 =	simm.s32 $0x0;
	s20 =	sshll.u32 s5, $0x1;
	s5 =	sadd.s32 s21, s3  }
0x9d: {  	[timem:s7], [sflag:s22] =	dma.local [hbm:s5], s20  }
0x9e: {  	_ =	swait.ge [sflag:s22], s20  }
0x9f: {  	s4 =	ssub.s32 $0x0, s20;
	[sflag:s22] =	ssyncset.done $0x0  }
0xa0: {  	[sflag:s22] =	ssyncadd.s32 s4;
	_ =	sdelay $0x1  }
0xa1: {  	s23 =	simm.s32 $0x1B8B  }
0xa2: {  	_ =	swait.ge [sflag:s23], $0x1  }
0xa3: {  	[sflag:s23] =	ssyncset.done $0x0  }
0xa4: {  	s25 =	simm.s32 $0x1B8E;
	s24 =	sld [smem:$0x3FFE];
	[sflag:s23] =	ssyncadd.s32 $0xFFFFFFFF  }
0xa5: {  	s26 =	simm.s32 $execute0_lowered;
	[smem:$0x3FD2] =	sst s25  }
0xa6: {  	s5 =	sshll.u32 s26, $0x1;
	_ =	strace $0x80000046;
	[dreg:$0x1] =	wrdreg $0xFFFFFFFF  }
0xa7: {  	s28 =	simm.s32 $_size_execute0_lowered;
	s3 =	sadd.s32 s3, s5;
	[dreg:$0x0] =	wrdreg $0x0  }
0xa8: {  	s5 =	sshll.u32 s28, $0x1;
	[dreg:$0x2] =	wrdreg s3  }
0xa9: {  	[dreg:$0x3] =	wrdreg s5  }
0xaa: {  	[dreg:$0x4] =	wrdreg $0xC0  }
0xab: {  	_ =	task [dreg:s7], $0x5FFFF  }
0xac: {  	[dreg:$0x1] =	wrdreg $0xFFFFFFFF  }
0xad: {  	[dreg:$0x0] =	wrdreg $0x60  }
0xae: {  	[dreg:$0x2] =	wrdreg s2  }
0xaf: {  	[dreg:$0x3] =	wrdreg s24  }
0xb0: {  	[dreg:$0x4] =	wrdreg $0x8800  }
0xb1: {  	[dreg:$0x5] =	wrdreg $0x9  }
0xb2: {  	_ =	task.clear_ibuf [dreg:s7], $0x6FFFF;
	_ =	strace $0x90000046  }
0xb3: {  	s29 =	simm.s32 $0x9;
	_ =	strace $0x80000048  }
0xb4: {  	_ =	swait.ge [sflag:s29], $0x1  }
0xb5: {  	[sflag:s29] =	ssyncadd.s32 $0xFFFFFFFF  }
0xb6: {  	_ =	strace $0x90000048  }
0xb7: {  	_ =	sfence  }
0xb8: {  	s30 =	sld [smem:$0x0];
	_ =	sdelay $0x2  }
0xb9: {  	s31 =	sshll.u32 s1, $0xD;
	s1 =	sshrl.u32 s1, $0x2  }
0xba: {  	s3 =	sand.u32 $0x4000, s31;
	s1 =	sadd.s32 s1, s30  }
0xbb: {  	s0 =	sor.u32 s3, s0;
	s1 =	sshll.u32 s1, $0x11  }
0xbc: {  	s0 =	sor.u32 s1, s0  }
0xbd: {  	s0 =	sadd.s32 $0x8F2B, s0  }
0xbe: {  	[sflag:s0] =	ssyncadd.remote.s32 $0x1  }
0xbf: {  	_ =	sfence.sel $0xFFFF  }
0xc0: {  	[dreg:$0x0] =	wrdreg $0xFFFFFFFF;
	(pc) =	sbr.abs _section_cstart, $3  }
0xc1: {  	[dreg:$0x1] =	wrdreg $0xFFFFFFFF  }
0xc2: {  	_ =	task.clear_ibuf [dreg:s7], $0x2FFFF;
	_ =	strace $0x9FFFFFFF  }
0xc3: {  	(tm) =	ssettm $0x7FFFFFFF  }
tec
execute0_lowered:
.L_overlay_start_1:
0x0: {  	(tag) =	ssettag $0x1  }
0x1: {  	s9 =	rddreg [dreg:$0x0]  }
0x2: {  	s6 =	rddreg [dreg:$0x1]  }
0x3: {  	s2 =	rddreg [dreg:$0x2]  }
0x4: {  	s4 =	srdreg.scid;
	s1 =	stileid.u32;
	s3 =	simm.s32 $0x0  }
0x5: {  	s16 =	simm.s32 $0x800;
	s17 =	simm.s32 $0x100;
	s18 =	simm.s32 $0x200  }
0x6: {  	s19 =	simm.s32 $0x300;
	s20 =	simm.s32 $0x80;
	s21 =	simm.s32 $0x9  }
0x7: {  	s22 =	simm.s32 $0xA;
	s23 =	simm.s32 $0xB;
	s24 =	simm.s32 $0xC  }
0x8: {  	s25 =	simm.s32 $0x0;
	s7 =	sand.u32 $0x1, s4;
	s8 =	smul.u32 $0x280, s1  }
0x9: {  	[smem:$0x7FF] =	sst s3;
	s4 =	sadd.s32 $0x2000, s6;
	s15 =	smul.u32 $0xA00, s1  }
0xa: {  	s5 =	sadd.s32 $0x1E00, s6;
	s31 =	sshll.u32 s1, $0x6;
	s10 =	smul.u32 $0x2800, s7  }
0xb: {  	_ =	strace $0x80000047;
	s11 =	sshll.u32 s7, $0x4;
	s12 =	ssub.s32 $0x2, s7  }
0xc: {  	s30 =	smul.u32 $0xA000, s7;
	s7 =	sor.u32 $0x1C0D, s31;
	s11 =	sor.u32 s1, s11  }
0xd: {  	s28 =	sshrl.u32 s12, $0x1;
	s14 =	sadd.s32 s8, s2;
	s10 =	sadd.s32 s8, s10  }
0xe: {  	s29 =	smul.u32 $0xA00, s11;
	s12 =	ssub.s32 s12, s28;
	s11 =	sadd.s32 s30, s9  }
0xf: {  	s14 =	sshrl.u32 s14, $0x3;
	s10 =	sshrl.u32 s10, $0x3;
	s15 =	sadd.s32 s15, s11  }
0x10: {  	s12 =	smax.u32 s12, $0x1;
	s13 =	sadd.s32 s10, s6;
	s6 =	sadd.s32 s9, s29  }
0x11: {  	s8 =	sadd.s32 $0x20, s6;
	s9 =	sadd.s32 $0x40, s6;
	s10 =	sadd.s32 $0x60, s6  }
0x12: {  	s11 =	sadd.s32 $0x2200, s13;
	s13 =	sadd.s32 $0x80, s15;
	s15 =	simm.s32 $0xD  }
.LBB2_1:
0x13: {  	[spmem:s14], [sflag:s7] =	dma.local [hbm:s4], $0x50  }
0x14: {  	_ =	swait.ge [sflag:s15], $0x50  }
0x15: {  	[sflag:s15] =	ssyncset.done $0x0  }
0x16: {  	[sflag:s15] =	ssyncadd.s32 $0xFFFFFFB0  }
0x17: {  	[tilespmem:s16], [sflag:$0xD] =	stream.linear.gather [hbm4b:s5+s3], $0x80, $0x38;
	[tilespmem:$0xB00] =	vst v63  }
0x18: {  	_ =	swait.ge [sflag:s15], $0x80  }
0x19: {  	[sflag:s15] =	ssyncset.done $0x0  }
0x1a: {  	[sflag:s15] =	ssyncadd.s32 $0xFFFFFF80  }
0x1b: {  	[bflag:$0x0] =	sbarrier.arrive $0xFFFF  }
0x1c: {  	[tilespmem:s3], [sflag:$0x1] =	stream.linear.gather [hbm4b:s6+s3], $0x100, $0x38;
	[tilespmem:$0xB00] =	vst v63  }
0x1d: {  	_ = 	snop  }
0x1e: {  	[tilespmem:s17], [sflag:$0x2] =	stream.linear.gather [hbm4b:s8+s3], $0x100, $0x38;
	[tilespmem:$0xB00] =	vst v63  }
0x1f: {  	_ = 	snop  }
0x20: {  	[tilespmem:s18], [sflag:$0x3] =	stream.linear.gather [hbm4b:s9+s3], $0x100, $0x38;
	[tilespmem:$0xB00] =	vst v63  }
0x21: {  	s26 =	smov.u32 s13;
	s28 =	simm.s32 $0x0  }
0x22: {  	[tilespmem:s19], [sflag:$0x4] =	stream.linear.gather [hbm4b:s10+s3], $0x100, $0x38;
	[tilespmem:$0xB00] =	vst v63  }
.LBB2_2:
0x23: {  	s29 =	sand.u32 $0x3, s28;
	p0 =	slt.u32 s28, $0x4  }
0x24: {  	s31 =	sadd.s32 @!p0 $0x9, s29  }
0x25: {  	p1 =	sgt.u32 @!p0 s28, $0x4B;
	_ =	swait.ge @!p0 [sflag:s31], $0x80  }
0x26: {  	s30 =	sand.u32 $0x7, s28;
	p1 =	por p0, !p1;
	[sflag:s31] =	ssyncset.done @!p0 $0x0  }
0x27: {  	s28 =	sadd.s32 $0x1, s28;
	[sflag:s31] =	ssyncadd.s32 @!p0 $0xFFFFFF80;
	s31 =	sxor.u32 @p1 $0x4, s30  }
0x28: {  	p0 =	sne.s32 s28, $0x50;
	s0 =	sshll.u32 @p1 s31, $0x8;
	s31 =	sadd.s32 @p1 $0x1, s31  }
0x29: {  	[tilespmem:s0], [sflag:s31] =	stream.linear.gather @p1 [hbm4b:s26+s3], $0x100, $0x38;
	[tilespmem:$0xB00] =	vst v63  }
.Ltmp0:
0x2a: {  	s31 =	sadd.s32 $0x1, s30;
	(pc) =	sbr.rel @p0 .LBB2_2-.Ltmp0, $4  }
0x2b: {  	_ =	swait.ge [sflag:s31], $0x100  }
0x2c: {  	s29 =	sadd.s32 $0x9, s29;
	s30 =	sshll.u32 s30, $0x8;
	[sflag:s31] =	ssyncset.done $0x0  }
0x2d: {  	s26 =	sadd.s32 $0x20, s26;
	[sflag:s31] =	ssyncadd.s32 $0xFFFFFF00;
	s31 =	sor.u32 $0x80, s30  }
0x2e: {  	[spmem:s2] =	stream.indirect.scatter.add.f32 [tilespmem:s16], [sflag:s29], $0x1, s31, s20, $0xb8;
	[tilespmem:$0xB00] =	vst v63  }
0x2f: {  	_ =	swait.ge [sflag:s21], $0x80  }
0x30: {  	[sflag:s21] =	ssyncset.done $0x0  }
0x31: {  	[sflag:s21] =	ssyncadd.s32 $0xFFFFFF80  }
0x32: {  	_ =	swait.ge [sflag:s22], $0x80  }
0x33: {  	[sflag:s22] =	ssyncset.done $0x0  }
0x34: {  	[sflag:s22] =	ssyncadd.s32 $0xFFFFFF80  }
0x35: {  	_ =	swait.ge [sflag:s23], $0x80  }
0x36: {  	[sflag:s23] =	ssyncset.done $0x0  }
0x37: {  	[sflag:s23] =	ssyncadd.s32 $0xFFFFFF80  }
0x38: {  	_ =	swait.ge [sflag:s24], $0x80  }
0x39: {  	s25 =	sadd.s32 $0x1, s25;
	[sflag:s24] =	ssyncset.done $0x0  }
0x3a: {  	p0 =	sne.s32 s25, s12;
	[sflag:s24] =	ssyncadd.s32 $0xFFFFFF80  }
.Ltmp1:
0x3b: {  	[bflag:$0x0] =	sbarrier.arrive $0xFFFF;
	(pc) =	sbr.rel @p0 .LBB2_1-.Ltmp1, $4  }
0x3c: {  	[hbm:s11], [sflag:s7] =	dma.local [spmem:s14], $0x50  }
0x3d: {  	_ =	swait.ge [sflag:s15], $0x50  }
0x3e: {  	[sflag:s15] =	ssyncset.done $0x0  }
0x3f: {  	[sflag:s15] =	ssyncadd.s32 $0xFFFFFFB0  }
0x40: {  	_ =	sfence.sel $0x180000  }
0x41: {  	[bflag:$0x0] =	sbarrier.arrive $0xFFFF  }
0x42: {  	_ =	strace $0x90000047  }
0x43: {  	[bflag:$0x2] =	sbarrier.arrive $0xFFFF  }
0x44: {  	p0 =	sne.s32 s1, $0x0;
	s0 =	rddreg [dreg:$0x3]  }
0x45: {  	s0 =	sadd.s32 @!p0 $0x100000, s0  }
0x46: {  	[sflag:s0] =	ssyncadd.tile.s32 @!p0 $0x1;
	_ =	shalt  }
.Lfunc_end2:
_tile_overlayer_lowered:
.L_overlay_start_2:
0x47: {  	(tag) =	ssettag $0x2  }
0x48: {  	s0 =	rddreg [dreg:$0x0];
	s2 =	stileid.u32  }
0x49: {  	s1 =	rddreg [dreg:$0x1];
	p0 =	sne.s32 s2, $0x0  }
0x4a: {  	s3 =	rddreg [dreg:$0x2];
	[bflag:$0x3] =	sbarrier.arrive $0xFFFF;
	s2 =	simm.s32 @!p0 $0x1C0D  }
0x4b: {  	[timem:s3], [sflag:s2] =	dma.local @!p0 [hbm:s0], s1  }
0x4c: {  	s0 =	simm.s32 @!p0 $0xD  }
0x4d: {  	_ =	swait.ge @!p0 [sflag:s0], s1  }
0x4e: {  	s1 =	ssub.s32 @!p0 $0x0, s1;
	[sflag:s0] =	ssyncset.done @!p0 $0x0  }
0x4f: {  	[sflag:s0] =	ssyncadd.s32 @!p0 s1  }
0x50: {  	[bflag:$0x3] =	sbarrier.arrive $0xFFFF  }
0x51: {  	_ =	shalt  }

</sc_bundles>
